<compile_context>
chip_gen: v7x
topology: tpu7x:2x2x1
jax: 0.10.2.dev20260603
libtpu: 0.0.44.dev20260713+nightly
codegen_flags: <defaults>
</compile_context>

<pallas_src>
import functools

import jax
import jax.numpy as jnp
from jax import lax
from jax.experimental import pallas as pl
from jax.experimental.pallas import tpu as pltpu
from jax.experimental.pallas import tpu_sc as plsc

B = 16384
D = 32
NC = 2
NS = 16
NW = NC * NS
BPW = B // NW
CHUNK = 128
NCHUNK = BPW // CHUNK
GROUPS = BPW // 16


@functools.partial(
    pl.kernel,
    mesh=plsc.VectorSubcoreMesh(core_axis_name="c", subcore_axis_name="s"),
    out_type=jax.ShapeDtypeStruct((B,), jnp.float32),
    compiler_params=pltpu.CompilerParams(
        needs_layout_passes=False, use_tc_tiling_on_sc=False),
    scratch_types=[
        pltpu.VMEM((BPW, 2), jnp.int32),
        pltpu.VMEM((NCHUNK, CHUNK), jnp.int32),
        pltpu.VMEM((NCHUNK, CHUNK), jnp.int32),
        pltpu.VMEM((BPW, D), jnp.float32),
        pltpu.VMEM((BPW, D), jnp.float32),
        pltpu.VMEM((BPW,), jnp.float32),
        pltpu.SemaphoreType.DMA,
    ],
)
def _mf_kernel(data_hbm, uf_hbm, if_hbm, out_hbm,
               pairs_v, uidx_v, iidx_v, urows_v, vrows_v, out_v, sem):
    wid = lax.axis_index("s") * NC + lax.axis_index("c")
    base = wid * BPW

    pltpu.sync_copy(data_hbm.at[pl.ds(base, BPW)], pairs_v)

    lanes = lax.iota(jnp.int32, 16)
    zeros = jnp.zeros((16,), jnp.int32)
    ones = jnp.ones((16,), jnp.int32)
    for c in range(BPW // 16):
        rows = c * 16 + lanes
        u16 = plsc.load_gather(pairs_v, [rows, zeros])
        i16 = plsc.load_gather(pairs_v, [rows, ones])
        uidx_v[c // 8, pl.ds((c % 8) * 16, 16)] = u16
        iidx_v[c // 8, pl.ds((c % 8) * 16, 16)] = i16

    copies = []
    for j in range(NCHUNK):
        copies.append(pltpu.async_copy(
            uf_hbm.at[uidx_v.at[j]], urows_v.at[pl.ds(j * CHUNK, CHUNK)], sem))
        copies.append(pltpu.async_copy(
            if_hbm.at[iidx_v.at[j]], vrows_v.at[pl.ds(j * CHUNK, CHUNK)], sem))
    for c in copies:
        c.wait()

    def group_body(g, carry):
        res = jnp.zeros((16,), jnp.float32)
        for dr in range(16):
            row = g * 16 + dr
            u0 = urows_v[row, pl.ds(0, 16)]
            u1 = urows_v[row, pl.ds(16, 16)]
            v0 = vrows_v[row, pl.ds(0, 16)]
            v1 = vrows_v[row, pl.ds(16, 16)]
            s = u0 * v0 + u1 * v1
            tot = jnp.sum(s)
            res = jnp.where(lanes == dr, tot, res)
        out_v[pl.ds(g * 16, 16)] = res
        return carry

    lax.fori_loop(0, GROUPS, group_body, 0)

    pltpu.sync_copy(out_v, out_hbm.at[pl.ds(base, BPW)])


def kernel(data, user_factors, item_factors):
    return _mf_kernel(data, user_factors, item_factors)

# --- scband reference (transcript-rebuilt; emitter-appended) ---
"""Pipeline reference for scband-matrix-factorization-89962384982443 (READ-ONLY COPY).

The authoritative reference and input builder live on the scoring server;
editing this copy changes nothing except your own understanding.
"""

import jax, jax.numpy as jnp
import numpy as np

N_USERS = 1000000
N_ITEMS = 1000000
N_FACTORS = 32
BATCH = 16384

def setup_inputs(seed: int = 0) -> dict:
    key = jax.random.key(seed)
    k_data, k_u, k_i = jax.random.split(key, 3)
    data = jax.random.randint(k_data, (BATCH, 2), 0, N_USERS, dtype=jnp.int64) if jax.config.read('jax_enable_x64') else jax.random.randint(k_data, (BATCH, 2), 0, N_USERS).astype(jnp.int32)
    user_factors = jax.random.uniform(k_u, (N_USERS, N_FACTORS), dtype=jnp.float32, minval=0.0, maxval=0.05)
    item_factors = jax.random.uniform(k_i, (N_ITEMS, N_FACTORS), dtype=jnp.float32, minval=0.0, maxval=0.05)
    return {"data": data, "user_factors": user_factors, "item_factors": item_factors}

def reference(data, user_factors, item_factors):
    users = data[:, 0]
    items = data[:, 1]
    u = jnp.take(user_factors, users, axis=0)
    v = jnp.take(item_factors, items, axis=0)
    return (u * v).sum(axis=1)

if __name__ == "__main__":
    import jax
    _d = setup_inputs()
    print(jax.jit(kernel)(*tuple(_d.values())))

</pallas_src>

<mosaic_0001>
#map = affine_map<(d0, d1) -> (0, 0)>
#map1 = affine_map<(d0, d1) -> (0)>
module attributes {stable_mosaic.version = 14 : i64} {
  func.func @_mf_kernel(%arg0: i32, %arg1: i32, %arg2: memref<16384x2xi32, #tpu.memory_space<hbm>>, %arg3: memref<1000000x32xf32, #tpu.memory_space<hbm>>, %arg4: memref<1000000x32xf32, #tpu.memory_space<hbm>>, %arg5: memref<16384xf32, #tpu.memory_space<hbm>>, %arg6: memref<512x2xi32, #tpu.memory_space<vmem>>, %arg7: memref<4x128xi32, #tpu.memory_space<vmem>>, %arg8: memref<4x128xi32, #tpu.memory_space<vmem>>, %arg9: memref<512x32xf32, #tpu.memory_space<vmem>>, %arg10: memref<512x32xf32, #tpu.memory_space<vmem>>, %arg11: memref<512xf32, #tpu.memory_space<vmem>>, %arg12: memref<!tpu.dma_semaphore, #tpu.memory_space<semaphore_mem>>) attributes {dimension_semantics = [#tpu.dimension_semantics<core_parallel>, #tpu.dimension_semantics<subcore_parallel>], iteration_bounds = array<i64: 2, 16>, scalar_prefetch = 0 : i64, scratch_operands = 7 : i64, tpu.core_type = #tpu.core_type<sc_vector_subcore>, window_params = [{transform_indices = #map}, {transform_indices = #map}, {transform_indices = #map}, {transform_indices = #map1}]} {
    %mul3A = arith.constant 2 : i32
    %mul3A_0 = arith.muli %arg1, %mul3A : i32
    %add3A = arith.addi %mul3A_0, %arg0 : i32
    %mul3A_1 = arith.constant 512 : i32
    %mul3A_2 = arith.muli %add3A, %mul3A_1 : i32
    "tpu.region"() ({
      %run_scoped3A = tpu.sem_alloc : memref<!tpu.dma_semaphore, #tpu.memory_space<semaphore_mem>>
      %dma_start3A_583 = arith.constant 0 : i32
      %dma_start3A_584 = tpu.memref_slice %arg2[%mul3A_2, %dma_start3A_583] : memref<16384x2xi32, #tpu.memory_space<hbm>> -> memref<512x2xi32, #tpu.memory_space<hbm>>
      %dma_start3A_585 = arith.constant 0 : i32
      %dma_start3A_586 = tpu.memref_slice %arg2[%mul3A_2, %dma_start3A_585] : memref<16384x2xi32, #tpu.memory_space<hbm>> -> memref<512x2xi32, #tpu.memory_space<hbm>>
      tpu.enqueue_dma source(%dma_start3A_586 : memref<512x2xi32, #tpu.memory_space<hbm>>) target(%arg6 : memref<512x2xi32, #tpu.memory_space<vmem>>) target_semaphore(%run_scoped3A : memref<!tpu.dma_semaphore, #tpu.memory_space<semaphore_mem>>)
      %dma_wait3A_587 = arith.constant 0 : i32
      %dma_wait3A_588 = tpu.memref_slice %arg2[%mul3A_2, %dma_wait3A_587] : memref<16384x2xi32, #tpu.memory_space<hbm>> -> memref<512x2xi32, #tpu.memory_space<hbm>>
      %dma_wait3A_589 = arith.constant 0 : i32
      %dma_wait3A_590 = tpu.memref_slice %arg2[%mul3A_2, %dma_wait3A_589] : memref<16384x2xi32, #tpu.memory_space<hbm>> -> memref<512x2xi32, #tpu.memory_space<hbm>>
      tpu.wait_dma2 semaphore(%run_scoped3A : memref<!tpu.dma_semaphore, #tpu.memory_space<semaphore_mem>>) src(%dma_wait3A_590 : memref<512x2xi32, #tpu.memory_space<hbm>>) dst(%arg6 : memref<512x2xi32, #tpu.memory_space<vmem>>)
      tpu.yield
    }) : () -> ()
    %iota3A = tpu.iota {dimensions = array<i32: 0>} : vector<16xi32>
    %broadcast_in_dim3A = arith.constant 0 : i32
    %broadcast_in_dim3A_3 = vector.broadcast %broadcast_in_dim3A : i32 to vector<16xi32>
    %broadcast_in_dim3A_4 = arith.constant 1 : i32
    %broadcast_in_dim3A_5 = vector.broadcast %broadcast_in_dim3A_4 : i32 to vector<16xi32>
    %add3A_6 = arith.constant 0 : i32
    %add3A_7 = vector.broadcast %add3A_6 : i32 to vector<16xi32>
    %add3A_8 = arith.addi %add3A_7, %iota3A : vector<16xi32>
    %gather3A = tpu.vector_load_idx %arg6[%add3A_8, %broadcast_in_dim3A_3] : memref<512x2xi32, #tpu.memory_space<vmem>>[vector<16xi32>, vector<16xi32>], vector<16xi32>,
    %gather3A_9 = tpu.vector_load_idx %arg6[%add3A_8, %broadcast_in_dim3A_5] : memref<512x2xi32, #tpu.memory_space<vmem>>[vector<16xi32>, vector<16xi32>], vector<16xi32>,
    %swap3A = arith.constant 0 : i32
    %swap3A_10 = arith.index_cast %swap3A : i32 to index
    %swap3A_11 = arith.constant 0 : index
    %swap3A_12 = tpu.vector_load %arg7[%swap3A_10, %swap3A_11] {strides = array<i32>} : memref<4x128xi32, #tpu.memory_space<vmem>>, vector<16xi32>,
    tpu.vector_store %arg7[%swap3A_10, %swap3A_11], %gather3A {strides = array<i32>} : memref<4x128xi32, #tpu.memory_space<vmem>>, vector<16xi32>,
    %swap3A_13 = arith.constant 0 : i32
    %swap3A_14 = arith.index_cast %swap3A_13 : i32 to index
    %swap3A_15 = arith.constant 0 : index
    %swap3A_16 = tpu.vector_load %arg8[%swap3A_14, %swap3A_15] {strides = array<i32>} : memref<4x128xi32, #tpu.memory_space<vmem>>, vector<16xi32>,
    tpu.vector_store %arg8[%swap3A_14, %swap3A_15], %gather3A_9 {strides = array<i32>} : memref<4x128xi32, #tpu.memory_space<vmem>>, vector<16xi32>,
    %add3A_17 = arith.constant 16 : i32
    %add3A_18 = vector.broadcast %add3A_17 : i32 to vector<16xi32>
    %add3A_19 = arith.addi %add3A_18, %iota3A : vector<16xi32>
    %gather3A_20 = tpu.vector_load_idx %arg6[%add3A_19, %broadcast_in_dim3A_3] : memref<512x2xi32, #tpu.memory_space<vmem>>[vector<16xi32>, vector<16xi32>], vector<16xi32>,
    %gather3A_21 = tpu.vector_load_idx %arg6[%add3A_19, %broadcast_in_dim3A_5] : memref<512x2xi32, #tpu.memory_space<vmem>>[vector<16xi32>, vector<16xi32>], vector<16xi32>,
    %swap3A_22 = arith.constant 0 : i32
    %swap3A_23 = arith.index_cast %swap3A_22 : i32 to index
    %swap3A_24 = arith.constant 16 : index
    %swap3A_25 = tpu.vector_load %arg7[%swap3A_23, %swap3A_24] {strides = array<i32>} : memref<4x128xi32, #tpu.memory_space<vmem>>, vector<16xi32>,
    tpu.vector_store %arg7[%swap3A_23, %swap3A_24], %gather3A_20 {strides = array<i32>} : memref<4x128xi32, #tpu.memory_space<vmem>>, vector<16xi32>,
    %swap3A_26 = arith.constant 0 : i32
    %swap3A_27 = arith.index_cast %swap3A_26 : i32 to index
    %swap3A_28 = arith.constant 16 : index
    %swap3A_29 = tpu.vector_load %arg8[%swap3A_27, %swap3A_28] {strides = array<i32>} : memref<4x128xi32, #tpu.memory_space<vmem>>, vector<16xi32>,
    tpu.vector_store %arg8[%swap3A_27, %swap3A_28], %gather3A_21 {strides = array<i32>} : memref<4x128xi32, #tpu.memory_space<vmem>>, vector<16xi32>,
    %add3A_30 = arith.constant 32 : i32
    %add3A_31 = vector.broadcast %add3A_30 : i32 to vector<16xi32>
    %add3A_32 = arith.addi %add3A_31, %iota3A : vector<16xi32>
    %gather3A_33 = tpu.vector_load_idx %arg6[%add3A_32, %broadcast_in_dim3A_3] : memref<512x2xi32, #tpu.memory_space<vmem>>[vector<16xi32>, vector<16xi32>], vector<16xi32>,
    %gather3A_34 = tpu.vector_load_idx %arg6[%add3A_32, %broadcast_in_dim3A_5] : memref<512x2xi32, #tpu.memory_space<vmem>>[vector<16xi32>, vector<16xi32>], vector<16xi32>,
    %swap3A_35 = arith.constant 0 : i32
    %swap3A_36 = arith.index_cast %swap3A_35 : i32 to index
    %swap3A_37 = arith.constant 32 : index
    %swap3A_38 = tpu.vector_load %arg7[%swap3A_36, %swap3A_37] {strides = array<i32>} : memref<4x128xi32, #tpu.memory_space<vmem>>, vector<16xi32>,
    tpu.vector_store %arg7[%swap3A_36, %swap3A_37], %gather3A_33 {strides = array<i32>} : memref<4x128xi32, #tpu.memory_space<vmem>>, vector<16xi32>,
    %swap3A_39 = arith.constant 0 : i32
    %swap3A_40 = arith.index_cast %swap3A_39 : i32 to index
    %swap3A_41 = arith.constant 32 : index
    %swap3A_42 = tpu.vector_load %arg8[%swap3A_40, %swap3A_41] {strides = array<i32>} : memref<4x128xi32, #tpu.memory_space<vmem>>, vector<16xi32>,
    tpu.vector_store %arg8[%swap3A_40, %swap3A_41], %gather3A_34 {strides = array<i32>} : memref<4x128xi32, #tpu.memory_space<vmem>>, vector<16xi32>,
    %add3A_43 = arith.constant 48 : i32
    %add3A_44 = vector.broadcast %add3A_43 : i32 to vector<16xi32>
    %add3A_45 = arith.addi %add3A_44, %iota3A : vector<16xi32>
    %gather3A_46 = tpu.vector_load_idx %arg6[%add3A_45, %broadcast_in_dim3A_3] : memref<512x2xi32, #tpu.memory_space<vmem>>[vector<16xi32>, vector<16xi32>], vector<16xi32>,
    %gather3A_47 = tpu.vector_load_idx %arg6[%add3A_45, %broadcast_in_dim3A_5] : memref<512x2xi32, #tpu.memory_space<vmem>>[vector<16xi32>, vector<16xi32>], vector<16xi32>,
    %swap3A_48 = arith.constant 0 : i32
    %swap3A_49 = arith.index_cast %swap3A_48 : i32 to index
    %swap3A_50 = arith.constant 48 : index
    %swap3A_51 = tpu.vector_load %arg7[%swap3A_49, %swap3A_50] {strides = array<i32>} : memref<4x128xi32, #tpu.memory_space<vmem>>, vector<16xi32>,
    tpu.vector_store %arg7[%swap3A_49, %swap3A_50], %gather3A_46 {strides = array<i32>} : memref<4x128xi32, #tpu.memory_space<vmem>>, vector<16xi32>,
    %swap3A_52 = arith.constant 0 : i32
    %swap3A_53 = arith.index_cast %swap3A_52 : i32 to index
    %swap3A_54 = arith.constant 48 : index
    %swap3A_55 = tpu.vector_load %arg8[%swap3A_53, %swap3A_54] {strides = array<i32>} : memref<4x128xi32, #tpu.memory_space<vmem>>, vector<16xi32>,
    tpu.vector_store %arg8[%swap3A_53, %swap3A_54], %gather3A_47 {strides = array<i32>} : memref<4x128xi32, #tpu.memory_space<vmem>>, vector<16xi32>,
    %add3A_56 = arith.constant 64 : i32
    %add3A_57 = vector.broadcast %add3A_56 : i32 to vector<16xi32>
    %add3A_58 = arith.addi %add3A_57, %iota3A : vector<16xi32>
    %gather3A_59 = tpu.vector_load_idx %arg6[%add3A_58, %broadcast_in_dim3A_3] : memref<512x2xi32, #tpu.memory_space<vmem>>[vector<16xi32>, vector<16xi32>], vector<16xi32>,
    %gather3A_60 = tpu.vector_load_idx %arg6[%add3A_58, %broadcast_in_dim3A_5] : memref<512x2xi32, #tpu.memory_space<vmem>>[vector<16xi32>, vector<16xi32>], vector<16xi32>,
    %swap3A_61 = arith.constant 0 : i32
    %swap3A_62 = arith.index_cast %swap3A_61 : i32 to index
    %swap3A_63 = arith.constant 64 : index
    %swap3A_64 = tpu.vector_load %arg7[%swap3A_62, %swap3A_63] {strides = array<i32>} : memref<4x128xi32, #tpu.memory_space<vmem>>, vector<16xi32>,
    tpu.vector_store %arg7[%swap3A_62, %swap3A_63], %gather3A_59 {strides = array<i32>} : memref<4x128xi32, #tpu.memory_space<vmem>>, vector<16xi32>,
    %swap3A_65 = arith.constant 0 : i32
    %swap3A_66 = arith.index_cast %swap3A_65 : i32 to index
    %swap3A_67 = arith.constant 64 : index
    %swap3A_68 = tpu.vector_load %arg8[%swap3A_66, %swap3A_67] {strides = array<i32>} : memref<4x128xi32, #tpu.memory_space<vmem>>, vector<16xi32>,
    tpu.vector_store %arg8[%swap3A_66, %swap3A_67], %gather3A_60 {strides = array<i32>} : memref<4x128xi32, #tpu.memory_space<vmem>>, vector<16xi32>,
    %add3A_69 = arith.constant 80 : i32
    %add3A_70 = vector.broadcast %add3A_69 : i32 to vector<16xi32>
    %add3A_71 = arith.addi %add3A_70, %iota3A : vector<16xi32>
    %gather3A_72 = tpu.vector_load_idx %arg6[%add3A_71, %broadcast_in_dim3A_3] : memref<512x2xi32, #tpu.memory_space<vmem>>[vector<16xi32>, vector<16xi32>], vector<16xi32>,
    %gather3A_73 = tpu.vector_load_idx %arg6[%add3A_71, %broadcast_in_dim3A_5] : memref<512x2xi32, #tpu.memory_space<vmem>>[vector<16xi32>, vector<16xi32>], vector<16xi32>,
    %swap3A_74 = arith.constant 0 : i32
    %swap3A_75 = arith.index_cast %swap3A_74 : i32 to index
    %swap3A_76 = arith.constant 80 : index
    %swap3A_77 = tpu.vector_load %arg7[%swap3A_75, %swap3A_76] {strides = array<i32>} : memref<4x128xi32, #tpu.memory_space<vmem>>, vector<16xi32>,
    tpu.vector_store %arg7[%swap3A_75, %swap3A_76], %gather3A_72 {strides = array<i32>} : memref<4x128xi32, #tpu.memory_space<vmem>>, vector<16xi32>,
    %swap3A_78 = arith.constant 0 : i32
    %swap3A_79 = arith.index_cast %swap3A_78 : i32 to index
    %swap3A_80 = arith.constant 80 : index
    %swap3A_81 = tpu.vector_load %arg8[%swap3A_79, %swap3A_80] {strides = array<i32>} : memref<4x128xi32, #tpu.memory_space<vmem>>, vector<16xi32>,
    tpu.vector_store %arg8[%swap3A_79, %swap3A_80], %gather3A_73 {strides = array<i32>} : memref<4x128xi32, #tpu.memory_space<vmem>>, vector<16xi32>,
    %add3A_82 = arith.constant 96 : i32
    %add3A_83 = vector.broadcast %add3A_82 : i32 to vector<16xi32>
    %add3A_84 = arith.addi %add3A_83, %iota3A : vector<16xi32>
    %gather3A_85 = tpu.vector_load_idx %arg6[%add3A_84, %broadcast_in_dim3A_3] : memref<512x2xi32, #tpu.memory_space<vmem>>[vector<16xi32>, vector<16xi32>], vector<16xi32>,
    %gather3A_86 = tpu.vector_load_idx %arg6[%add3A_84, %broadcast_in_dim3A_5] : memref<512x2xi32, #tpu.memory_space<vmem>>[vector<16xi32>, vector<16xi32>], vector<16xi32>,
    %swap3A_87 = arith.constant 0 : i32
    %swap3A_88 = arith.index_cast %swap3A_87 : i32 to index
    %swap3A_89 = arith.constant 96 : index
    %swap3A_90 = tpu.vector_load %arg7[%swap3A_88, %swap3A_89] {strides = array<i32>} : memref<4x128xi32, #tpu.memory_space<vmem>>, vector<16xi32>,
    tpu.vector_store %arg7[%swap3A_88, %swap3A_89], %gather3A_85 {strides = array<i32>} : memref<4x128xi32, #tpu.memory_space<vmem>>, vector<16xi32>,
    %swap3A_91 = arith.constant 0 : i32
    %swap3A_92 = arith.index_cast %swap3A_91 : i32 to index
    %swap3A_93 = arith.constant 96 : index
    %swap3A_94 = tpu.vector_load %arg8[%swap3A_92, %swap3A_93] {strides = array<i32>} : memref<4x128xi32, #tpu.memory_space<vmem>>, vector<16xi32>,
    tpu.vector_store %arg8[%swap3A_92, %swap3A_93], %gather3A_86 {strides = array<i32>} : memref<4x128xi32, #tpu.memory_space<vmem>>, vector<16xi32>,
    %add3A_95 = arith.constant 112 : i32
    %add3A_96 = vector.broadcast %add3A_95 : i32 to vector<16xi32>
    %add3A_97 = arith.addi %add3A_96, %iota3A : vector<16xi32>
    %gather3A_98 = tpu.vector_load_idx %arg6[%add3A_97, %broadcast_in_dim3A_3] : memref<512x2xi32, #tpu.memory_space<vmem>>[vector<16xi32>, vector<16xi32>], vector<16xi32>,
    %gather3A_99 = tpu.vector_load_idx %arg6[%add3A_97, %broadcast_in_dim3A_5] : memref<512x2xi32, #tpu.memory_space<vmem>>[vector<16xi32>, vector<16xi32>], vector<16xi32>,
    %swap3A_100 = arith.constant 0 : i32
    %swap3A_101 = arith.index_cast %swap3A_100 : i32 to index
    %swap3A_102 = arith.constant 112 : index
    %swap3A_103 = tpu.vector_load %arg7[%swap3A_101, %swap3A_102] {strides = array<i32>} : memref<4x128xi32, #tpu.memory_space<vmem>>, vector<16xi32>,
    tpu.vector_store %arg7[%swap3A_101, %swap3A_102], %gather3A_98 {strides = array<i32>} : memref<4x128xi32, #tpu.memory_space<vmem>>, vector<16xi32>,
    %swap3A_104 = arith.constant 0 : i32
    %swap3A_105 = arith.index_cast %swap3A_104 : i32 to index
    %swap3A_106 = arith.constant 112 : index
    %swap3A_107 = tpu.vector_load %arg8[%swap3A_105, %swap3A_106] {strides = array<i32>} : memref<4x128xi32, #tpu.memory_space<vmem>>, vector<16xi32>,
    tpu.vector_store %arg8[%swap3A_105, %swap3A_106], %gather3A_99 {strides = array<i32>} : memref<4x128xi32, #tpu.memory_space<vmem>>, vector<16xi32>,
    %add3A_108 = arith.constant 128 : i32
    %add3A_109 = vector.broadcast %add3A_108 : i32 to vector<16xi32>
    %add3A_110 = arith.addi %add3A_109, %iota3A : vector<16xi32>
    %gather3A_111 = tpu.vector_load_idx %arg6[%add3A_110, %broadcast_in_dim3A_3] : memref<512x2xi32, #tpu.memory_space<vmem>>[vector<16xi32>, vector<16xi32>], vector<16xi32>,
    %gather3A_112 = tpu.vector_load_idx %arg6[%add3A_110, %broadcast_in_dim3A_5] : memref<512x2xi32, #tpu.memory_space<vmem>>[vector<16xi32>, vector<16xi32>], vector<16xi32>,
    %swap3A_113 = arith.constant 1 : i32
    %swap3A_114 = arith.index_cast %swap3A_113 : i32 to index
    %swap3A_115 = arith.constant 0 : index
    %swap3A_116 = tpu.vector_load %arg7[%swap3A_114, %swap3A_115] {strides = array<i32>} : memref<4x128xi32, #tpu.memory_space<vmem>>, vector<16xi32>,
    tpu.vector_store %arg7[%swap3A_114, %swap3A_115], %gather3A_111 {strides = array<i32>} : memref<4x128xi32, #tpu.memory_space<vmem>>, vector<16xi32>,
    %swap3A_117 = arith.constant 1 : i32
    %swap3A_118 = arith.index_cast %swap3A_117 : i32 to index
    %swap3A_119 = arith.constant 0 : index
    %swap3A_120 = tpu.vector_load %arg8[%swap3A_118, %swap3A_119] {strides = array<i32>} : memref<4x128xi32, #tpu.memory_space<vmem>>, vector<16xi32>,
    tpu.vector_store %arg8[%swap3A_118, %swap3A_119], %gather3A_112 {strides = array<i32>} : memref<4x128xi32, #tpu.memory_space<vmem>>, vector<16xi32>,
    %add3A_121 = arith.constant 144 : i32
    %add3A_122 = vector.broadcast %add3A_121 : i32 to vector<16xi32>
    %add3A_123 = arith.addi %add3A_122, %iota3A : vector<16xi32>
    %gather3A_124 = tpu.vector_load_idx %arg6[%add3A_123, %broadcast_in_dim3A_3] : memref<512x2xi32, #tpu.memory_space<vmem>>[vector<16xi32>, vector<16xi32>], vector<16xi32>,
    %gather3A_125 = tpu.vector_load_idx %arg6[%add3A_123, %broadcast_in_dim3A_5] : memref<512x2xi32, #tpu.memory_space<vmem>>[vector<16xi32>, vector<16xi32>], vector<16xi32>,
    %swap3A_126 = arith.constant 1 : i32
    %swap3A_127 = arith.index_cast %swap3A_126 : i32 to index
    %swap3A_128 = arith.constant 16 : index
    %swap3A_129 = tpu.vector_load %arg7[%swap3A_127, %swap3A_128] {strides = array<i32>} : memref<4x128xi32, #tpu.memory_space<vmem>>, vector<16xi32>,
    tpu.vector_store %arg7[%swap3A_127, %swap3A_128], %gather3A_124 {strides = array<i32>} : memref<4x128xi32, #tpu.memory_space<vmem>>, vector<16xi32>,
    %swap3A_130 = arith.constant 1 : i32
    %swap3A_131 = arith.index_cast %swap3A_130 : i32 to index
    %swap3A_132 = arith.constant 16 : index
    %swap3A_133 = tpu.vector_load %arg8[%swap3A_131, %swap3A_132] {strides = array<i32>} : memref<4x128xi32, #tpu.memory_space<vmem>>, vector<16xi32>,
    tpu.vector_store %arg8[%swap3A_131, %swap3A_132], %gather3A_125 {strides = array<i32>} : memref<4x128xi32, #tpu.memory_space<vmem>>, vector<16xi32>,
    %add3A_134 = arith.constant 160 : i32
    %add3A_135 = vector.broadcast %add3A_134 : i32 to vector<16xi32>
    %add3A_136 = arith.addi %add3A_135, %iota3A : vector<16xi32>
    %gather3A_137 = tpu.vector_load_idx %arg6[%add3A_136, %broadcast_in_dim3A_3] : memref<512x2xi32, #tpu.memory_space<vmem>>[vector<16xi32>, vector<16xi32>], vector<16xi32>,
    %gather3A_138 = tpu.vector_load_idx %arg6[%add3A_136, %broadcast_in_dim3A_5] : memref<512x2xi32, #tpu.memory_space<vmem>>[vector<16xi32>, vector<16xi32>], vector<16xi32>,
    %swap3A_139 = arith.constant 1 : i32
    %swap3A_140 = arith.index_cast %swap3A_139 : i32 to index
    %swap3A_141 = arith.constant 32 : index
    %swap3A_142 = tpu.vector_load %arg7[%swap3A_140, %swap3A_141] {strides = array<i32>} : memref<4x128xi32, #tpu.memory_space<vmem>>, vector<16xi32>,
    tpu.vector_store %arg7[%swap3A_140, %swap3A_141], %gather3A_137 {strides = array<i32>} : memref<4x128xi32, #tpu.memory_space<vmem>>, vector<16xi32>,
    %swap3A_143 = arith.constant 1 : i32
    %swap3A_144 = arith.index_cast %swap3A_143 : i32 to index
    %swap3A_145 = arith.constant 32 : index
    %swap3A_146 = tpu.vector_load %arg8[%swap3A_144, %swap3A_145] {strides = array<i32>} : memref<4x128xi32, #tpu.memory_space<vmem>>, vector<16xi32>,
    tpu.vector_store %arg8[%swap3A_144, %swap3A_145], %gather3A_138 {strides = array<i32>} : memref<4x128xi32, #tpu.memory_space<vmem>>, vector<16xi32>,
    %add3A_147 = arith.constant 176 : i32
    %add3A_148 = vector.broadcast %add3A_147 : i32 to vector<16xi32>
    %add3A_149 = arith.addi %add3A_148, %iota3A : vector<16xi32>
    %gather3A_150 = tpu.vector_load_idx %arg6[%add3A_149, %broadcast_in_dim3A_3] : memref<512x2xi32, #tpu.memory_space<vmem>>[vector<16xi32>, vector<16xi32>], vector<16xi32>,
    %gather3A_151 = tpu.vector_load_idx %arg6[%add3A_149, %broadcast_in_dim3A_5] : memref<512x2xi32, #tpu.memory_space<vmem>>[vector<16xi32>, vector<16xi32>], vector<16xi32>,
    %swap3A_152 = arith.constant 1 : i32
    %swap3A_153 = arith.index_cast %swap3A_152 : i32 to index
    %swap3A_154 = arith.constant 48 : index
    %swap3A_155 = tpu.vector_load %arg7[%swap3A_153, %swap3A_154] {strides = array<i32>} : memref<4x128xi32, #tpu.memory_space<vmem>>, vector<16xi32>,
    tpu.vector_store %arg7[%swap3A_153, %swap3A_154], %gather3A_150 {strides = array<i32>} : memref<4x128xi32, #tpu.memory_space<vmem>>, vector<16xi32>,
    %swap3A_156 = arith.constant 1 : i32
    %swap3A_157 = arith.index_cast %swap3A_156 : i32 to index
    %swap3A_158 = arith.constant 48 : index
    %swap3A_159 = tpu.vector_load %arg8[%swap3A_157, %swap3A_158] {strides = array<i32>} : memref<4x128xi32, #tpu.memory_space<vmem>>, vector<16xi32>,
    tpu.vector_store %arg8[%swap3A_157, %swap3A_158], %gather3A_151 {strides = array<i32>} : memref<4x128xi32, #tpu.memory_space<vmem>>, vector<16xi32>,
    %add3A_160 = arith.constant 192 : i32
    %add3A_161 = vector.broadcast %add3A_160 : i32 to vector<16xi32>
    %add3A_162 = arith.addi %add3A_161, %iota3A : vector<16xi32>
    %gather3A_163 = tpu.vector_load_idx %arg6[%add3A_162, %broadcast_in_dim3A_3] : memref<512x2xi32, #tpu.memory_space<vmem>>[vector<16xi32>, vector<16xi32>], vector<16xi32>,
    %gather3A_164 = tpu.vector_load_idx %arg6[%add3A_162, %broadcast_in_dim3A_5] : memref<512x2xi32, #tpu.memory_space<vmem>>[vector<16xi32>, vector<16xi32>], vector<16xi32>,
    %swap3A_165 = arith.constant 1 : i32
    %swap3A_166 = arith.index_cast %swap3A_165 : i32 to index
    %swap3A_167 = arith.constant 64 : index
    %swap3A_168 = tpu.vector_load %arg7[%swap3A_166, %swap3A_167] {strides = array<i32>} : memref<4x128xi32, #tpu.memory_space<vmem>>, vector<16xi32>,
    tpu.vector_store %arg7[%swap3A_166, %swap3A_167], %gather3A_163 {strides = array<i32>} : memref<4x128xi32, #tpu.memory_space<vmem>>, vector<16xi32>,
    %swap3A_169 = arith.constant 1 : i32
    %swap3A_170 = arith.index_cast %swap3A_169 : i32 to index
    %swap3A_171 = arith.constant 64 : index
    %swap3A_172 = tpu.vector_load %arg8[%swap3A_170, %swap3A_171] {strides = array<i32>} : memref<4x128xi32, #tpu.memory_space<vmem>>, vector<16xi32>,
    tpu.vector_store %arg8[%swap3A_170, %swap3A_171], %gather3A_164 {strides = array<i32>} : memref<4x128xi32, #tpu.memory_space<vmem>>, vector<16xi32>,
    %add3A_173 = arith.constant 208 : i32
    %add3A_174 = vector.broadcast %add3A_173 : i32 to vector<16xi32>
    %add3A_175 = arith.addi %add3A_174, %iota3A : vector<16xi32>
    %gather3A_176 = tpu.vector_load_idx %arg6[%add3A_175, %broadcast_in_dim3A_3] : memref<512x2xi32, #tpu.memory_space<vmem>>[vector<16xi32>, vector<16xi32>], vector<16xi32>,
    %gather3A_177 = tpu.vector_load_idx %arg6[%add3A_175, %broadcast_in_dim3A_5] : memref<512x2xi32, #tpu.memory_space<vmem>>[vector<16xi32>, vector<16xi32>], vector<16xi32>,
    %swap3A_178 = arith.constant 1 : i32
    %swap3A_179 = arith.index_cast %swap3A_178 : i32 to index
    %swap3A_180 = arith.constant 80 : index
    %swap3A_181 = tpu.vector_load %arg7[%swap3A_179, %swap3A_180] {strides = array<i32>} : memref<4x128xi32, #tpu.memory_space<vmem>>, vector<16xi32>,
    tpu.vector_store %arg7[%swap3A_179, %swap3A_180], %gather3A_176 {strides = array<i32>} : memref<4x128xi32, #tpu.memory_space<vmem>>, vector<16xi32>,
    %swap3A_182 = arith.constant 1 : i32
    %swap3A_183 = arith.index_cast %swap3A_182 : i32 to index
    %swap3A_184 = arith.constant 80 : index
    %swap3A_185 = tpu.vector_load %arg8[%swap3A_183, %swap3A_184] {strides = array<i32>} : memref<4x128xi32, #tpu.memory_space<vmem>>, vector<16xi32>,
    tpu.vector_store %arg8[%swap3A_183, %swap3A_184], %gather3A_177 {strides = array<i32>} : memref<4x128xi32, #tpu.memory_space<vmem>>, vector<16xi32>,
    %add3A_186 = arith.constant 224 : i32
    %add3A_187 = vector.broadcast %add3A_186 : i32 to vector<16xi32>
    %add3A_188 = arith.addi %add3A_187, %iota3A : vector<16xi32>
    %gather3A_189 = tpu.vector_load_idx %arg6[%add3A_188, %broadcast_in_dim3A_3] : memref<512x2xi32, #tpu.memory_space<vmem>>[vector<16xi32>, vector<16xi32>], vector<16xi32>,
    %gather3A_190 = tpu.vector_load_idx %arg6[%add3A_188, %broadcast_in_dim3A_5] : memref<512x2xi32, #tpu.memory_space<vmem>>[vector<16xi32>, vector<16xi32>], vector<16xi32>,
    %swap3A_191 = arith.constant 1 : i32
    %swap3A_192 = arith.index_cast %swap3A_191 : i32 to index
    %swap3A_193 = arith.constant 96 : index
    %swap3A_194 = tpu.vector_load %arg7[%swap3A_192, %swap3A_193] {strides = array<i32>} : memref<4x128xi32, #tpu.memory_space<vmem>>, vector<16xi32>,
    tpu.vector_store %arg7[%swap3A_192, %swap3A_193], %gather3A_189 {strides = array<i32>} : memref<4x128xi32, #tpu.memory_space<vmem>>, vector<16xi32>,
    %swap3A_195 = arith.constant 1 : i32
    %swap3A_196 = arith.index_cast %swap3A_195 : i32 to index
    %swap3A_197 = arith.constant 96 : index
    %swap3A_198 = tpu.vector_load %arg8[%swap3A_196, %swap3A_197] {strides = array<i32>} : memref<4x128xi32, #tpu.memory_space<vmem>>, vector<16xi32>,
    tpu.vector_store %arg8[%swap3A_196, %swap3A_197], %gather3A_190 {strides = array<i32>} : memref<4x128xi32, #tpu.memory_space<vmem>>, vector<16xi32>,
    %add3A_199 = arith.constant 240 : i32
    %add3A_200 = vector.broadcast %add3A_199 : i32 to vector<16xi32>
    %add3A_201 = arith.addi %add3A_200, %iota3A : vector<16xi32>
    %gather3A_202 = tpu.vector_load_idx %arg6[%add3A_201, %broadcast_in_dim3A_3] : memref<512x2xi32, #tpu.memory_space<vmem>>[vector<16xi32>, vector<16xi32>], vector<16xi32>,
    %gather3A_203 = tpu.vector_load_idx %arg6[%add3A_201, %broadcast_in_dim3A_5] : memref<512x2xi32, #tpu.memory_space<vmem>>[vector<16xi32>, vector<16xi32>], vector<16xi32>,
    %swap3A_204 = arith.constant 1 : i32
    %swap3A_205 = arith.index_cast %swap3A_204 : i32 to index
    %swap3A_206 = arith.constant 112 : index
    %swap3A_207 = tpu.vector_load %arg7[%swap3A_205, %swap3A_206] {strides = array<i32>} : memref<4x128xi32, #tpu.memory_space<vmem>>, vector<16xi32>,
    tpu.vector_store %arg7[%swap3A_205, %swap3A_206], %gather3A_202 {strides = array<i32>} : memref<4x128xi32, #tpu.memory_space<vmem>>, vector<16xi32>,
    %swap3A_208 = arith.constant 1 : i32
    %swap3A_209 = arith.index_cast %swap3A_208 : i32 to index
    %swap3A_210 = arith.constant 112 : index
    %swap3A_211 = tpu.vector_load %arg8[%swap3A_209, %swap3A_210] {strides = array<i32>} : memref<4x128xi32, #tpu.memory_space<vmem>>, vector<16xi32>,
    tpu.vector_store %arg8[%swap3A_209, %swap3A_210], %gather3A_203 {strides = array<i32>} : memref<4x128xi32, #tpu.memory_space<vmem>>, vector<16xi32>,
    %add3A_212 = arith.constant 256 : i32
    %add3A_213 = vector.broadcast %add3A_212 : i32 to vector<16xi32>
    %add3A_214 = arith.addi %add3A_213, %iota3A : vector<16xi32>
    %gather3A_215 = tpu.vector_load_idx %arg6[%add3A_214, %broadcast_in_dim3A_3] : memref<512x2xi32, #tpu.memory_space<vmem>>[vector<16xi32>, vector<16xi32>], vector<16xi32>,
    %gather3A_216 = tpu.vector_load_idx %arg6[%add3A_214, %broadcast_in_dim3A_5] : memref<512x2xi32, #tpu.memory_space<vmem>>[vector<16xi32>, vector<16xi32>], vector<16xi32>,
    %swap3A_217 = arith.constant 2 : i32
    %swap3A_218 = arith.index_cast %swap3A_217 : i32 to index
    %swap3A_219 = arith.constant 0 : index
    %swap3A_220 = tpu.vector_load %arg7[%swap3A_218, %swap3A_219] {strides = array<i32>} : memref<4x128xi32, #tpu.memory_space<vmem>>, vector<16xi32>,
    tpu.vector_store %arg7[%swap3A_218, %swap3A_219], %gather3A_215 {strides = array<i32>} : memref<4x128xi32, #tpu.memory_space<vmem>>, vector<16xi32>,
    %swap3A_221 = arith.constant 2 : i32
    %swap3A_222 = arith.index_cast %swap3A_221 : i32 to index
    %swap3A_223 = arith.constant 0 : index
    %swap3A_224 = tpu.vector_load %arg8[%swap3A_222, %swap3A_223] {strides = array<i32>} : memref<4x128xi32, #tpu.memory_space<vmem>>, vector<16xi32>,
    tpu.vector_store %arg8[%swap3A_222, %swap3A_223], %gather3A_216 {strides = array<i32>} : memref<4x128xi32, #tpu.memory_space<vmem>>, vector<16xi32>,
    %add3A_225 = arith.constant 272 : i32
    %add3A_226 = vector.broadcast %add3A_225 : i32 to vector<16xi32>
    %add3A_227 = arith.addi %add3A_226, %iota3A : vector<16xi32>
    %gather3A_228 = tpu.vector_load_idx %arg6[%add3A_227, %broadcast_in_dim3A_3] : memref<512x2xi32, #tpu.memory_space<vmem>>[vector<16xi32>, vector<16xi32>], vector<16xi32>,
    %gather3A_229 = tpu.vector_load_idx %arg6[%add3A_227, %broadcast_in_dim3A_5] : memref<512x2xi32, #tpu.memory_space<vmem>>[vector<16xi32>, vector<16xi32>], vector<16xi32>,
    %swap3A_230 = arith.constant 2 : i32
    %swap3A_231 = arith.index_cast %swap3A_230 : i32 to index
    %swap3A_232 = arith.constant 16 : index
    %swap3A_233 = tpu.vector_load %arg7[%swap3A_231, %swap3A_232] {strides = array<i32>} : memref<4x128xi32, #tpu.memory_space<vmem>>, vector<16xi32>,
    tpu.vector_store %arg7[%swap3A_231, %swap3A_232], %gather3A_228 {strides = array<i32>} : memref<4x128xi32, #tpu.memory_space<vmem>>, vector<16xi32>,
    %swap3A_234 = arith.constant 2 : i32
    %swap3A_235 = arith.index_cast %swap3A_234 : i32 to index
    %swap3A_236 = arith.constant 16 : index
    %swap3A_237 = tpu.vector_load %arg8[%swap3A_235, %swap3A_236] {strides = array<i32>} : memref<4x128xi32, #tpu.memory_space<vmem>>, vector<16xi32>,
    tpu.vector_store %arg8[%swap3A_235, %swap3A_236], %gather3A_229 {strides = array<i32>} : memref<4x128xi32, #tpu.memory_space<vmem>>, vector<16xi32>,
    %add3A_238 = arith.constant 288 : i32
    %add3A_239 = vector.broadcast %add3A_238 : i32 to vector<16xi32>
    %add3A_240 = arith.addi %add3A_239, %iota3A : vector<16xi32>
    %gather3A_241 = tpu.vector_load_idx %arg6[%add3A_240, %broadcast_in_dim3A_3] : memref<512x2xi32, #tpu.memory_space<vmem>>[vector<16xi32>, vector<16xi32>], vector<16xi32>,
    %gather3A_242 = tpu.vector_load_idx %arg6[%add3A_240, %broadcast_in_dim3A_5] : memref<512x2xi32, #tpu.memory_space<vmem>>[vector<16xi32>, vector<16xi32>], vector<16xi32>,
    %swap3A_243 = arith.constant 2 : i32
    %swap3A_244 = arith.index_cast %swap3A_243 : i32 to index
    %swap3A_245 = arith.constant 32 : index
    %swap3A_246 = tpu.vector_load %arg7[%swap3A_244, %swap3A_245] {strides = array<i32>} : memref<4x128xi32, #tpu.memory_space<vmem>>, vector<16xi32>,
    tpu.vector_store %arg7[%swap3A_244, %swap3A_245], %gather3A_241 {strides = array<i32>} : memref<4x128xi32, #tpu.memory_space<vmem>>, vector<16xi32>,
    %swap3A_247 = arith.constant 2 : i32
    %swap3A_248 = arith.index_cast %swap3A_247 : i32 to index
    %swap3A_249 = arith.constant 32 : index
    %swap3A_250 = tpu.vector_load %arg8[%swap3A_248, %swap3A_249] {strides = array<i32>} : memref<4x128xi32, #tpu.memory_space<vmem>>, vector<16xi32>,
    tpu.vector_store %arg8[%swap3A_248, %swap3A_249], %gather3A_242 {strides = array<i32>} : memref<4x128xi32, #tpu.memory_space<vmem>>, vector<16xi32>,
    %add3A_251 = arith.constant 304 : i32
    %add3A_252 = vector.broadcast %add3A_251 : i32 to vector<16xi32>
    %add3A_253 = arith.addi %add3A_252, %iota3A : vector<16xi32>
    %gather3A_254 = tpu.vector_load_idx %arg6[%add3A_253, %broadcast_in_dim3A_3] : memref<512x2xi32, #tpu.memory_space<vmem>>[vector<16xi32>, vector<16xi32>], vector<16xi32>,
    %gather3A_255 = tpu.vector_load_idx %arg6[%add3A_253, %broadcast_in_dim3A_5] : memref<512x2xi32, #tpu.memory_space<vmem>>[vector<16xi32>, vector<16xi32>], vector<16xi32>,
    %swap3A_256 = arith.constant 2 : i32
    %swap3A_257 = arith.index_cast %swap3A_256 : i32 to index
    %swap3A_258 = arith.constant 48 : index
    %swap3A_259 = tpu.vector_load %arg7[%swap3A_257, %swap3A_258] {strides = array<i32>} : memref<4x128xi32, #tpu.memory_space<vmem>>, vector<16xi32>,
    tpu.vector_store %arg7[%swap3A_257, %swap3A_258], %gather3A_254 {strides = array<i32>} : memref<4x128xi32, #tpu.memory_space<vmem>>, vector<16xi32>,
    %swap3A_260 = arith.constant 2 : i32
    %swap3A_261 = arith.index_cast %swap3A_260 : i32 to index
    %swap3A_262 = arith.constant 48 : index
    %swap3A_263 = tpu.vector_load %arg8[%swap3A_261, %swap3A_262] {strides = array<i32>} : memref<4x128xi32, #tpu.memory_space<vmem>>, vector<16xi32>,
    tpu.vector_store %arg8[%swap3A_261, %swap3A_262], %gather3A_255 {strides = array<i32>} : memref<4x128xi32, #tpu.memory_space<vmem>>, vector<16xi32>,
    %add3A_264 = arith.constant 320 : i32
    %add3A_265 = vector.broadcast %add3A_264 : i32 to vector<16xi32>
    %add3A_266 = arith.addi %add3A_265, %iota3A : vector<16xi32>
    %gather3A_267 = tpu.vector_load_idx %arg6[%add3A_266, %broadcast_in_dim3A_3] : memref<512x2xi32, #tpu.memory_space<vmem>>[vector<16xi32>, vector<16xi32>], vector<16xi32>,
    %gather3A_268 = tpu.vector_load_idx %arg6[%add3A_266, %broadcast_in_dim3A_5] : memref<512x2xi32, #tpu.memory_space<vmem>>[vector<16xi32>, vector<16xi32>], vector<16xi32>,
    %swap3A_269 = arith.constant 2 : i32
    %swap3A_270 = arith.index_cast %swap3A_269 : i32 to index
    %swap3A_271 = arith.constant 64 : index
    %swap3A_272 = tpu.vector_load %arg7[%swap3A_270, %swap3A_271] {strides = array<i32>} : memref<4x128xi32, #tpu.memory_space<vmem>>, vector<16xi32>,
    tpu.vector_store %arg7[%swap3A_270, %swap3A_271], %gather3A_267 {strides = array<i32>} : memref<4x128xi32, #tpu.memory_space<vmem>>, vector<16xi32>,
    %swap3A_273 = arith.constant 2 : i32
    %swap3A_274 = arith.index_cast %swap3A_273 : i32 to index
    %swap3A_275 = arith.constant 64 : index
    %swap3A_276 = tpu.vector_load %arg8[%swap3A_274, %swap3A_275] {strides = array<i32>} : memref<4x128xi32, #tpu.memory_space<vmem>>, vector<16xi32>,
    tpu.vector_store %arg8[%swap3A_274, %swap3A_275], %gather3A_268 {strides = array<i32>} : memref<4x128xi32, #tpu.memory_space<vmem>>, vector<16xi32>,
    %add3A_277 = arith.constant 336 : i32
    %add3A_278 = vector.broadcast %add3A_277 : i32 to vector<16xi32>
    %add3A_279 = arith.addi %add3A_278, %iota3A : vector<16xi32>
    %gather3A_280 = tpu.vector_load_idx %arg6[%add3A_279, %broadcast_in_dim3A_3] : memref<512x2xi32, #tpu.memory_space<vmem>>[vector<16xi32>, vector<16xi32>], vector<16xi32>,
    %gather3A_281 = tpu.vector_load_idx %arg6[%add3A_279, %broadcast_in_dim3A_5] : memref<512x2xi32, #tpu.memory_space<vmem>>[vector<16xi32>, vector<16xi32>], vector<16xi32>,
    %swap3A_282 = arith.constant 2 : i32
    %swap3A_283 = arith.index_cast %swap3A_282 : i32 to index
    %swap3A_284 = arith.constant 80 : index
    %swap3A_285 = tpu.vector_load %arg7[%swap3A_283, %swap3A_284] {strides = array<i32>} : memref<4x128xi32, #tpu.memory_space<vmem>>, vector<16xi32>,
    tpu.vector_store %arg7[%swap3A_283, %swap3A_284], %gather3A_280 {strides = array<i32>} : memref<4x128xi32, #tpu.memory_space<vmem>>, vector<16xi32>,
    %swap3A_286 = arith.constant 2 : i32
    %swap3A_287 = arith.index_cast %swap3A_286 : i32 to index
    %swap3A_288 = arith.constant 80 : index
    %swap3A_289 = tpu.vector_load %arg8[%swap3A_287, %swap3A_288] {strides = array<i32>} : memref<4x128xi32, #tpu.memory_space<vmem>>, vector<16xi32>,
    tpu.vector_store %arg8[%swap3A_287, %swap3A_288], %gather3A_281 {strides = array<i32>} : memref<4x128xi32, #tpu.memory_space<vmem>>, vector<16xi32>,
    %add3A_290 = arith.constant 352 : i32
    %add3A_291 = vector.broadcast %add3A_290 : i32 to vector<16xi32>
    %add3A_292 = arith.addi %add3A_291, %iota3A : vector<16xi32>
    %gather3A_293 = tpu.vector_load_idx %arg6[%add3A_292, %broadcast_in_dim3A_3] : memref<512x2xi32, #tpu.memory_space<vmem>>[vector<16xi32>, vector<16xi32>], vector<16xi32>,
    %gather3A_294 = tpu.vector_load_idx %arg6[%add3A_292, %broadcast_in_dim3A_5] : memref<512x2xi32, #tpu.memory_space<vmem>>[vector<16xi32>, vector<16xi32>], vector<16xi32>,
    %swap3A_295 = arith.constant 2 : i32
    %swap3A_296 = arith.index_cast %swap3A_295 : i32 to index
    %swap3A_297 = arith.constant 96 : index
    %swap3A_298 = tpu.vector_load %arg7[%swap3A_296, %swap3A_297] {strides = array<i32>} : memref<4x128xi32, #tpu.memory_space<vmem>>, vector<16xi32>,
    tpu.vector_store %arg7[%swap3A_296, %swap3A_297], %gather3A_293 {strides = array<i32>} : memref<4x128xi32, #tpu.memory_space<vmem>>, vector<16xi32>,
    %swap3A_299 = arith.constant 2 : i32
    %swap3A_300 = arith.index_cast %swap3A_299 : i32 to index
    %swap3A_301 = arith.constant 96 : index
    %swap3A_302 = tpu.vector_load %arg8[%swap3A_300, %swap3A_301] {strides = array<i32>} : memref<4x128xi32, #tpu.memory_space<vmem>>, vector<16xi32>,
    tpu.vector_store %arg8[%swap3A_300, %swap3A_301], %gather3A_294 {strides = array<i32>} : memref<4x128xi32, #tpu.memory_space<vmem>>, vector<16xi32>,
    %add3A_303 = arith.constant 368 : i32
    %add3A_304 = vector.broadcast %add3A_303 : i32 to vector<16xi32>
    %add3A_305 = arith.addi %add3A_304, %iota3A : vector<16xi32>
    %gather3A_306 = tpu.vector_load_idx %arg6[%add3A_305, %broadcast_in_dim3A_3] : memref<512x2xi32, #tpu.memory_space<vmem>>[vector<16xi32>, vector<16xi32>], vector<16xi32>,
    %gather3A_307 = tpu.vector_load_idx %arg6[%add3A_305, %broadcast_in_dim3A_5] : memref<512x2xi32, #tpu.memory_space<vmem>>[vector<16xi32>, vector<16xi32>], vector<16xi32>,
    %swap3A_308 = arith.constant 2 : i32
    %swap3A_309 = arith.index_cast %swap3A_308 : i32 to index
    %swap3A_310 = arith.constant 112 : index
    %swap3A_311 = tpu.vector_load %arg7[%swap3A_309, %swap3A_310] {strides = array<i32>} : memref<4x128xi32, #tpu.memory_space<vmem>>, vector<16xi32>,
    tpu.vector_store %arg7[%swap3A_309, %swap3A_310], %gather3A_306 {strides = array<i32>} : memref<4x128xi32, #tpu.memory_space<vmem>>, vector<16xi32>,
    %swap3A_312 = arith.constant 2 : i32
    %swap3A_313 = arith.index_cast %swap3A_312 : i32 to index
    %swap3A_314 = arith.constant 112 : index
    %swap3A_315 = tpu.vector_load %arg8[%swap3A_313, %swap3A_314] {strides = array<i32>} : memref<4x128xi32, #tpu.memory_space<vmem>>, vector<16xi32>,
    tpu.vector_store %arg8[%swap3A_313, %swap3A_314], %gather3A_307 {strides = array<i32>} : memref<4x128xi32, #tpu.memory_space<vmem>>, vector<16xi32>,
    %add3A_316 = arith.constant 384 : i32
    %add3A_317 = vector.broadcast %add3A_316 : i32 to vector<16xi32>
    %add3A_318 = arith.addi %add3A_317, %iota3A : vector<16xi32>
    %gather3A_319 = tpu.vector_load_idx %arg6[%add3A_318, %broadcast_in_dim3A_3] : memref<512x2xi32, #tpu.memory_space<vmem>>[vector<16xi32>, vector<16xi32>], vector<16xi32>,
    %gather3A_320 = tpu.vector_load_idx %arg6[%add3A_318, %broadcast_in_dim3A_5] : memref<512x2xi32, #tpu.memory_space<vmem>>[vector<16xi32>, vector<16xi32>], vector<16xi32>,
    %swap3A_321 = arith.constant 3 : i32
    %swap3A_322 = arith.index_cast %swap3A_321 : i32 to index
    %swap3A_323 = arith.constant 0 : index
    %swap3A_324 = tpu.vector_load %arg7[%swap3A_322, %swap3A_323] {strides = array<i32>} : memref<4x128xi32, #tpu.memory_space<vmem>>, vector<16xi32>,
    tpu.vector_store %arg7[%swap3A_322, %swap3A_323], %gather3A_319 {strides = array<i32>} : memref<4x128xi32, #tpu.memory_space<vmem>>, vector<16xi32>,
    %swap3A_325 = arith.constant 3 : i32
    %swap3A_326 = arith.index_cast %swap3A_325 : i32 to index
    %swap3A_327 = arith.constant 0 : index
    %swap3A_328 = tpu.vector_load %arg8[%swap3A_326, %swap3A_327] {strides = array<i32>} : memref<4x128xi32, #tpu.memory_space<vmem>>, vector<16xi32>,
    tpu.vector_store %arg8[%swap3A_326, %swap3A_327], %gather3A_320 {strides = array<i32>} : memref<4x128xi32, #tpu.memory_space<vmem>>, vector<16xi32>,
    %add3A_329 = arith.constant 400 : i32
    %add3A_330 = vector.broadcast %add3A_329 : i32 to vector<16xi32>
    %add3A_331 = arith.addi %add3A_330, %iota3A : vector<16xi32>
    %gather3A_332 = tpu.vector_load_idx %arg6[%add3A_331, %broadcast_in_dim3A_3] : memref<512x2xi32, #tpu.memory_space<vmem>>[vector<16xi32>, vector<16xi32>], vector<16xi32>,
    %gather3A_333 = tpu.vector_load_idx %arg6[%add3A_331, %broadcast_in_dim3A_5] : memref<512x2xi32, #tpu.memory_space<vmem>>[vector<16xi32>, vector<16xi32>], vector<16xi32>,
    %swap3A_334 = arith.constant 3 : i32
    %swap3A_335 = arith.index_cast %swap3A_334 : i32 to index
    %swap3A_336 = arith.constant 16 : index
    %swap3A_337 = tpu.vector_load %arg7[%swap3A_335, %swap3A_336] {strides = array<i32>} : memref<4x128xi32, #tpu.memory_space<vmem>>, vector<16xi32>,
    tpu.vector_store %arg7[%swap3A_335, %swap3A_336], %gather3A_332 {strides = array<i32>} : memref<4x128xi32, #tpu.memory_space<vmem>>, vector<16xi32>,
    %swap3A_338 = arith.constant 3 : i32
    %swap3A_339 = arith.index_cast %swap3A_338 : i32 to index
    %swap3A_340 = arith.constant 16 : index
    %swap3A_341 = tpu.vector_load %arg8[%swap3A_339, %swap3A_340] {strides = array<i32>} : memref<4x128xi32, #tpu.memory_space<vmem>>, vector<16xi32>,
    tpu.vector_store %arg8[%swap3A_339, %swap3A_340], %gather3A_333 {strides = array<i32>} : memref<4x128xi32, #tpu.memory_space<vmem>>, vector<16xi32>,
    %add3A_342 = arith.constant 416 : i32
    %add3A_343 = vector.broadcast %add3A_342 : i32 to vector<16xi32>
    %add3A_344 = arith.addi %add3A_343, %iota3A : vector<16xi32>
    %gather3A_345 = tpu.vector_load_idx %arg6[%add3A_344, %broadcast_in_dim3A_3] : memref<512x2xi32, #tpu.memory_space<vmem>>[vector<16xi32>, vector<16xi32>], vector<16xi32>,
    %gather3A_346 = tpu.vector_load_idx %arg6[%add3A_344, %broadcast_in_dim3A_5] : memref<512x2xi32, #tpu.memory_space<vmem>>[vector<16xi32>, vector<16xi32>], vector<16xi32>,
    %swap3A_347 = arith.constant 3 : i32
    %swap3A_348 = arith.index_cast %swap3A_347 : i32 to index
    %swap3A_349 = arith.constant 32 : index
    %swap3A_350 = tpu.vector_load %arg7[%swap3A_348, %swap3A_349] {strides = array<i32>} : memref<4x128xi32, #tpu.memory_space<vmem>>, vector<16xi32>,
    tpu.vector_store %arg7[%swap3A_348, %swap3A_349], %gather3A_345 {strides = array<i32>} : memref<4x128xi32, #tpu.memory_space<vmem>>, vector<16xi32>,
    %swap3A_351 = arith.constant 3 : i32
    %swap3A_352 = arith.index_cast %swap3A_351 : i32 to index
    %swap3A_353 = arith.constant 32 : index
    %swap3A_354 = tpu.vector_load %arg8[%swap3A_352, %swap3A_353] {strides = array<i32>} : memref<4x128xi32, #tpu.memory_space<vmem>>, vector<16xi32>,
    tpu.vector_store %arg8[%swap3A_352, %swap3A_353], %gather3A_346 {strides = array<i32>} : memref<4x128xi32, #tpu.memory_space<vmem>>, vector<16xi32>,
    %add3A_355 = arith.constant 432 : i32
    %add3A_356 = vector.broadcast %add3A_355 : i32 to vector<16xi32>
    %add3A_357 = arith.addi %add3A_356, %iota3A : vector<16xi32>
    %gather3A_358 = tpu.vector_load_idx %arg6[%add3A_357, %broadcast_in_dim3A_3] : memref<512x2xi32, #tpu.memory_space<vmem>>[vector<16xi32>, vector<16xi32>], vector<16xi32>,
    %gather3A_359 = tpu.vector_load_idx %arg6[%add3A_357, %broadcast_in_dim3A_5] : memref<512x2xi32, #tpu.memory_space<vmem>>[vector<16xi32>, vector<16xi32>], vector<16xi32>,
    %swap3A_360 = arith.constant 3 : i32
    %swap3A_361 = arith.index_cast %swap3A_360 : i32 to index
    %swap3A_362 = arith.constant 48 : index
    %swap3A_363 = tpu.vector_load %arg7[%swap3A_361, %swap3A_362] {strides = array<i32>} : memref<4x128xi32, #tpu.memory_space<vmem>>, vector<16xi32>,
    tpu.vector_store %arg7[%swap3A_361, %swap3A_362], %gather3A_358 {strides = array<i32>} : memref<4x128xi32, #tpu.memory_space<vmem>>, vector<16xi32>,
    %swap3A_364 = arith.constant 3 : i32
    %swap3A_365 = arith.index_cast %swap3A_364 : i32 to index
    %swap3A_366 = arith.constant 48 : index
    %swap3A_367 = tpu.vector_load %arg8[%swap3A_365, %swap3A_366] {strides = array<i32>} : memref<4x128xi32, #tpu.memory_space<vmem>>, vector<16xi32>,
    tpu.vector_store %arg8[%swap3A_365, %swap3A_366], %gather3A_359 {strides = array<i32>} : memref<4x128xi32, #tpu.memory_space<vmem>>, vector<16xi32>,
    %add3A_368 = arith.constant 448 : i32
    %add3A_369 = vector.broadcast %add3A_368 : i32 to vector<16xi32>
    %add3A_370 = arith.addi %add3A_369, %iota3A : vector<16xi32>
    %gather3A_371 = tpu.vector_load_idx %arg6[%add3A_370, %broadcast_in_dim3A_3] : memref<512x2xi32, #tpu.memory_space<vmem>>[vector<16xi32>, vector<16xi32>], vector<16xi32>,
    %gather3A_372 = tpu.vector_load_idx %arg6[%add3A_370, %broadcast_in_dim3A_5] : memref<512x2xi32, #tpu.memory_space<vmem>>[vector<16xi32>, vector<16xi32>], vector<16xi32>,
    %swap3A_373 = arith.constant 3 : i32
    %swap3A_374 = arith.index_cast %swap3A_373 : i32 to index
    %swap3A_375 = arith.constant 64 : index
    %swap3A_376 = tpu.vector_load %arg7[%swap3A_374, %swap3A_375] {strides = array<i32>} : memref<4x128xi32, #tpu.memory_space<vmem>>, vector<16xi32>,
    tpu.vector_store %arg7[%swap3A_374, %swap3A_375], %gather3A_371 {strides = array<i32>} : memref<4x128xi32, #tpu.memory_space<vmem>>, vector<16xi32>,
    %swap3A_377 = arith.constant 3 : i32
    %swap3A_378 = arith.index_cast %swap3A_377 : i32 to index
    %swap3A_379 = arith.constant 64 : index
    %swap3A_380 = tpu.vector_load %arg8[%swap3A_378, %swap3A_379] {strides = array<i32>} : memref<4x128xi32, #tpu.memory_space<vmem>>, vector<16xi32>,
    tpu.vector_store %arg8[%swap3A_378, %swap3A_379], %gather3A_372 {strides = array<i32>} : memref<4x128xi32, #tpu.memory_space<vmem>>, vector<16xi32>,
    %add3A_381 = arith.constant 464 : i32
    %add3A_382 = vector.broadcast %add3A_381 : i32 to vector<16xi32>
    %add3A_383 = arith.addi %add3A_382, %iota3A : vector<16xi32>
    %gather3A_384 = tpu.vector_load_idx %arg6[%add3A_383, %broadcast_in_dim3A_3] : memref<512x2xi32, #tpu.memory_space<vmem>>[vector<16xi32>, vector<16xi32>], vector<16xi32>,
    %gather3A_385 = tpu.vector_load_idx %arg6[%add3A_383, %broadcast_in_dim3A_5] : memref<512x2xi32, #tpu.memory_space<vmem>>[vector<16xi32>, vector<16xi32>], vector<16xi32>,
    %swap3A_386 = arith.constant 3 : i32
    %swap3A_387 = arith.index_cast %swap3A_386 : i32 to index
    %swap3A_388 = arith.constant 80 : index
    %swap3A_389 = tpu.vector_load %arg7[%swap3A_387, %swap3A_388] {strides = array<i32>} : memref<4x128xi32, #tpu.memory_space<vmem>>, vector<16xi32>,
    tpu.vector_store %arg7[%swap3A_387, %swap3A_388], %gather3A_384 {strides = array<i32>} : memref<4x128xi32, #tpu.memory_space<vmem>>, vector<16xi32>,
    %swap3A_390 = arith.constant 3 : i32
    %swap3A_391 = arith.index_cast %swap3A_390 : i32 to index
    %swap3A_392 = arith.constant 80 : index
    %swap3A_393 = tpu.vector_load %arg8[%swap3A_391, %swap3A_392] {strides = array<i32>} : memref<4x128xi32, #tpu.memory_space<vmem>>, vector<16xi32>,
    tpu.vector_store %arg8[%swap3A_391, %swap3A_392], %gather3A_385 {strides = array<i32>} : memref<4x128xi32, #tpu.memory_space<vmem>>, vector<16xi32>,
    %add3A_394 = arith.constant 480 : i32
    %add3A_395 = vector.broadcast %add3A_394 : i32 to vector<16xi32>
    %add3A_396 = arith.addi %add3A_395, %iota3A : vector<16xi32>
    %gather3A_397 = tpu.vector_load_idx %arg6[%add3A_396, %broadcast_in_dim3A_3] : memref<512x2xi32, #tpu.memory_space<vmem>>[vector<16xi32>, vector<16xi32>], vector<16xi32>,
    %gather3A_398 = tpu.vector_load_idx %arg6[%add3A_396, %broadcast_in_dim3A_5] : memref<512x2xi32, #tpu.memory_space<vmem>>[vector<16xi32>, vector<16xi32>], vector<16xi32>,
    %swap3A_399 = arith.constant 3 : i32
    %swap3A_400 = arith.index_cast %swap3A_399 : i32 to index
    %swap3A_401 = arith.constant 96 : index
    %swap3A_402 = tpu.vector_load %arg7[%swap3A_400, %swap3A_401] {strides = array<i32>} : memref<4x128xi32, #tpu.memory_space<vmem>>, vector<16xi32>,
    tpu.vector_store %arg7[%swap3A_400, %swap3A_401], %gather3A_397 {strides = array<i32>} : memref<4x128xi32, #tpu.memory_space<vmem>>, vector<16xi32>,
    %swap3A_403 = arith.constant 3 : i32
    %swap3A_404 = arith.index_cast %swap3A_403 : i32 to index
    %swap3A_405 = arith.constant 96 : index
    %swap3A_406 = tpu.vector_load %arg8[%swap3A_404, %swap3A_405] {strides = array<i32>} : memref<4x128xi32, #tpu.memory_space<vmem>>, vector<16xi32>,
    tpu.vector_store %arg8[%swap3A_404, %swap3A_405], %gather3A_398 {strides = array<i32>} : memref<4x128xi32, #tpu.memory_space<vmem>>, vector<16xi32>,
    %add3A_407 = arith.constant 496 : i32
    %add3A_408 = vector.broadcast %add3A_407 : i32 to vector<16xi32>
    %add3A_409 = arith.addi %add3A_408, %iota3A : vector<16xi32>
    %gather3A_410 = tpu.vector_load_idx %arg6[%add3A_409, %broadcast_in_dim3A_3] : memref<512x2xi32, #tpu.memory_space<vmem>>[vector<16xi32>, vector<16xi32>], vector<16xi32>,
    %gather3A_411 = tpu.vector_load_idx %arg6[%add3A_409, %broadcast_in_dim3A_5] : memref<512x2xi32, #tpu.memory_space<vmem>>[vector<16xi32>, vector<16xi32>], vector<16xi32>,
    %swap3A_412 = arith.constant 3 : i32
    %swap3A_413 = arith.index_cast %swap3A_412 : i32 to index
    %swap3A_414 = arith.constant 112 : index
    %swap3A_415 = tpu.vector_load %arg7[%swap3A_413, %swap3A_414] {strides = array<i32>} : memref<4x128xi32, #tpu.memory_space<vmem>>, vector<16xi32>,
    tpu.vector_store %arg7[%swap3A_413, %swap3A_414], %gather3A_410 {strides = array<i32>} : memref<4x128xi32, #tpu.memory_space<vmem>>, vector<16xi32>,
    %swap3A_416 = arith.constant 3 : i32
    %swap3A_417 = arith.index_cast %swap3A_416 : i32 to index
    %swap3A_418 = arith.constant 112 : index
    %swap3A_419 = tpu.vector_load %arg8[%swap3A_417, %swap3A_418] {strides = array<i32>} : memref<4x128xi32, #tpu.memory_space<vmem>>, vector<16xi32>,
    tpu.vector_store %arg8[%swap3A_417, %swap3A_418], %gather3A_411 {strides = array<i32>} : memref<4x128xi32, #tpu.memory_space<vmem>>, vector<16xi32>,
    %dma_start3A = arith.constant 0 : i32
    %dma_start3A_420 = arith.constant 0 : i32
    %dma_start3A_421 = arith.constant 0 : i32
    %dma_start3A_422 = tpu.memref_slice %arg9[%dma_start3A_420, %dma_start3A_421] : memref<512x32xf32, #tpu.memory_space<vmem>> -> memref<128x32xf32, #tpu.memory_space<vmem>>
    %dma_start3A_423 = arith.constant 0 : i32
    %dma_start3A_424 = tpu.memref_slice %arg7[%dma_start3A, %dma_start3A_423] : memref<4x128xi32, #tpu.memory_space<vmem>> -> memref<1x128xi32, #tpu.memory_space<vmem>>
    %dma_start3A_425 = tpu.memref_squeeze %dma_start3A_424 : memref<1x128xi32, #tpu.memory_space<vmem>> -> memref<128xi32, #tpu.memory_space<vmem>>
    %dma_start3A_426 = arith.constant 0 : i32
    %dma_start3A_427 = arith.constant 0 : i32
    %dma_start3A_428 = tpu.memref_slice %arg3[%dma_start3A_426, %dma_start3A_427] : memref<1000000x32xf32, #tpu.memory_space<hbm>> -> memref<1000000x32xf32, #tpu.memory_space<hbm>>
    tpu.enqueue_indirect_dma source(%dma_start3A_428 : memref<1000000x32xf32, #tpu.memory_space<hbm>>) target(%dma_start3A_422 : memref<128x32xf32, #tpu.memory_space<vmem>>) offsets(%dma_start3A_425 : memref<128xi32, #tpu.memory_space<vmem>>) semaphore(%arg12 : memref<!tpu.dma_semaphore, #tpu.memory_space<semaphore_mem>>)
    %dma_start3A_429 = arith.constant 0 : i32
    %dma_start3A_430 = arith.constant 0 : i32
    %dma_start3A_431 = arith.constant 0 : i32
    %dma_start3A_432 = tpu.memref_slice %arg10[%dma_start3A_430, %dma_start3A_431] : memref<512x32xf32, #tpu.memory_space<vmem>> -> memref<128x32xf32, #tpu.memory_space<vmem>>
    %dma_start3A_433 = arith.constant 0 : i32
    %dma_start3A_434 = tpu.memref_slice %arg8[%dma_start3A_429, %dma_start3A_433] : memref<4x128xi32, #tpu.memory_space<vmem>> -> memref<1x128xi32, #tpu.memory_space<vmem>>
    %dma_start3A_435 = tpu.memref_squeeze %dma_start3A_434 : memref<1x128xi32, #tpu.memory_space<vmem>> -> memref<128xi32, #tpu.memory_space<vmem>>
    %dma_start3A_436 = arith.constant 0 : i32
    %dma_start3A_437 = arith.constant 0 : i32
    %dma_start3A_438 = tpu.memref_slice %arg4[%dma_start3A_436, %dma_start3A_437] : memref<1000000x32xf32, #tpu.memory_space<hbm>> -> memref<1000000x32xf32, #tpu.memory_space<hbm>>
    tpu.enqueue_indirect_dma source(%dma_start3A_438 : memref<1000000x32xf32, #tpu.memory_space<hbm>>) target(%dma_start3A_432 : memref<128x32xf32, #tpu.memory_space<vmem>>) offsets(%dma_start3A_435 : memref<128xi32, #tpu.memory_space<vmem>>) semaphore(%arg12 : memref<!tpu.dma_semaphore, #tpu.memory_space<semaphore_mem>>)
    %dma_start3A_439 = arith.constant 1 : i32
    %dma_start3A_440 = arith.constant 128 : i32
    %dma_start3A_441 = arith.constant 0 : i32
    %dma_start3A_442 = tpu.memref_slice %arg9[%dma_start3A_440, %dma_start3A_441] : memref<512x32xf32, #tpu.memory_space<vmem>> -> memref<128x32xf32, #tpu.memory_space<vmem>>
    %dma_start3A_443 = arith.constant 0 : i32
    %dma_start3A_444 = tpu.memref_slice %arg7[%dma_start3A_439, %dma_start3A_443] : memref<4x128xi32, #tpu.memory_space<vmem>> -> memref<1x128xi32, #tpu.memory_space<vmem>>
    %dma_start3A_445 = tpu.memref_squeeze %dma_start3A_444 : memref<1x128xi32, #tpu.memory_space<vmem>> -> memref<128xi32, #tpu.memory_space<vmem>>
    %dma_start3A_446 = arith.constant 0 : i32
    %dma_start3A_447 = arith.constant 0 : i32
    %dma_start3A_448 = tpu.memref_slice %arg3[%dma_start3A_446, %dma_start3A_447] : memref<1000000x32xf32, #tpu.memory_space<hbm>> -> memref<1000000x32xf32, #tpu.memory_space<hbm>>
    tpu.enqueue_indirect_dma source(%dma_start3A_448 : memref<1000000x32xf32, #tpu.memory_space<hbm>>) target(%dma_start3A_442 : memref<128x32xf32, #tpu.memory_space<vmem>>) offsets(%dma_start3A_445 : memref<128xi32, #tpu.memory_space<vmem>>) semaphore(%arg12 : memref<!tpu.dma_semaphore, #tpu.memory_space<semaphore_mem>>)
    %dma_start3A_449 = arith.constant 1 : i32
    %dma_start3A_450 = arith.constant 128 : i32
    %dma_start3A_451 = arith.constant 0 : i32
    %dma_start3A_452 = tpu.memref_slice %arg10[%dma_start3A_450, %dma_start3A_451] : memref<512x32xf32, #tpu.memory_space<vmem>> -> memref<128x32xf32, #tpu.memory_space<vmem>>
    %dma_start3A_453 = arith.constant 0 : i32
    %dma_start3A_454 = tpu.memref_slice %arg8[%dma_start3A_449, %dma_start3A_453] : memref<4x128xi32, #tpu.memory_space<vmem>> -> memref<1x128xi32, #tpu.memory_space<vmem>>
    %dma_start3A_455 = tpu.memref_squeeze %dma_start3A_454 : memref<1x128xi32, #tpu.memory_space<vmem>> -> memref<128xi32, #tpu.memory_space<vmem>>
    %dma_start3A_456 = arith.constant 0 : i32
    %dma_start3A_457 = arith.constant 0 : i32
    %dma_start3A_458 = tpu.memref_slice %arg4[%dma_start3A_456, %dma_start3A_457] : memref<1000000x32xf32, #tpu.memory_space<hbm>> -> memref<1000000x32xf32, #tpu.memory_space<hbm>>
    tpu.enqueue_indirect_dma source(%dma_start3A_458 : memref<1000000x32xf32, #tpu.memory_space<hbm>>) target(%dma_start3A_452 : memref<128x32xf32, #tpu.memory_space<vmem>>) offsets(%dma_start3A_455 : memref<128xi32, #tpu.memory_space<vmem>>) semaphore(%arg12 : memref<!tpu.dma_semaphore, #tpu.memory_space<semaphore_mem>>)
    %dma_start3A_459 = arith.constant 2 : i32
    %dma_start3A_460 = arith.constant 256 : i32
    %dma_start3A_461 = arith.constant 0 : i32
    %dma_start3A_462 = tpu.memref_slice %arg9[%dma_start3A_460, %dma_start3A_461] : memref<512x32xf32, #tpu.memory_space<vmem>> -> memref<128x32xf32, #tpu.memory_space<vmem>>
    %dma_start3A_463 = arith.constant 0 : i32
    %dma_start3A_464 = tpu.memref_slice %arg7[%dma_start3A_459, %dma_start3A_463] : memref<4x128xi32, #tpu.memory_space<vmem>> -> memref<1x128xi32, #tpu.memory_space<vmem>>
    %dma_start3A_465 = tpu.memref_squeeze %dma_start3A_464 : memref<1x128xi32, #tpu.memory_space<vmem>> -> memref<128xi32, #tpu.memory_space<vmem>>
    %dma_start3A_466 = arith.constant 0 : i32
    %dma_start3A_467 = arith.constant 0 : i32
    %dma_start3A_468 = tpu.memref_slice %arg3[%dma_start3A_466, %dma_start3A_467] : memref<1000000x32xf32, #tpu.memory_space<hbm>> -> memref<1000000x32xf32, #tpu.memory_space<hbm>>
    tpu.enqueue_indirect_dma source(%dma_start3A_468 : memref<1000000x32xf32, #tpu.memory_space<hbm>>) target(%dma_start3A_462 : memref<128x32xf32, #tpu.memory_space<vmem>>) offsets(%dma_start3A_465 : memref<128xi32, #tpu.memory_space<vmem>>) semaphore(%arg12 : memref<!tpu.dma_semaphore, #tpu.memory_space<semaphore_mem>>)
    %dma_start3A_469 = arith.constant 2 : i32
    %dma_start3A_470 = arith.constant 256 : i32
    %dma_start3A_471 = arith.constant 0 : i32
    %dma_start3A_472 = tpu.memref_slice %arg10[%dma_start3A_470, %dma_start3A_471] : memref<512x32xf32, #tpu.memory_space<vmem>> -> memref<128x32xf32, #tpu.memory_space<vmem>>
    %dma_start3A_473 = arith.constant 0 : i32
    %dma_start3A_474 = tpu.memref_slice %arg8[%dma_start3A_469, %dma_start3A_473] : memref<4x128xi32, #tpu.memory_space<vmem>> -> memref<1x128xi32, #tpu.memory_space<vmem>>
    %dma_start3A_475 = tpu.memref_squeeze %dma_start3A_474 : memref<1x128xi32, #tpu.memory_space<vmem>> -> memref<128xi32, #tpu.memory_space<vmem>>
    %dma_start3A_476 = arith.constant 0 : i32
    %dma_start3A_477 = arith.constant 0 : i32
    %dma_start3A_478 = tpu.memref_slice %arg4[%dma_start3A_476, %dma_start3A_477] : memref<1000000x32xf32, #tpu.memory_space<hbm>> -> memref<1000000x32xf32, #tpu.memory_space<hbm>>
    tpu.enqueue_indirect_dma source(%dma_start3A_478 : memref<1000000x32xf32, #tpu.memory_space<hbm>>) target(%dma_start3A_472 : memref<128x32xf32, #tpu.memory_space<vmem>>) offsets(%dma_start3A_475 : memref<128xi32, #tpu.memory_space<vmem>>) semaphore(%arg12 : memref<!tpu.dma_semaphore, #tpu.memory_space<semaphore_mem>>)
    %dma_start3A_479 = arith.constant 3 : i32
    %dma_start3A_480 = arith.constant 384 : i32
    %dma_start3A_481 = arith.constant 0 : i32
    %dma_start3A_482 = tpu.memref_slice %arg9[%dma_start3A_480, %dma_start3A_481] : memref<512x32xf32, #tpu.memory_space<vmem>> -> memref<128x32xf32, #tpu.memory_space<vmem>>
    %dma_start3A_483 = arith.constant 0 : i32
    %dma_start3A_484 = tpu.memref_slice %arg7[%dma_start3A_479, %dma_start3A_483] : memref<4x128xi32, #tpu.memory_space<vmem>> -> memref<1x128xi32, #tpu.memory_space<vmem>>
    %dma_start3A_485 = tpu.memref_squeeze %dma_start3A_484 : memref<1x128xi32, #tpu.memory_space<vmem>> -> memref<128xi32, #tpu.memory_space<vmem>>
    %dma_start3A_486 = arith.constant 0 : i32
    %dma_start3A_487 = arith.constant 0 : i32
    %dma_start3A_488 = tpu.memref_slice %arg3[%dma_start3A_486, %dma_start3A_487] : memref<1000000x32xf32, #tpu.memory_space<hbm>> -> memref<1000000x32xf32, #tpu.memory_space<hbm>>
    tpu.enqueue_indirect_dma source(%dma_start3A_488 : memref<1000000x32xf32, #tpu.memory_space<hbm>>) target(%dma_start3A_482 : memref<128x32xf32, #tpu.memory_space<vmem>>) offsets(%dma_start3A_485 : memref<128xi32, #tpu.memory_space<vmem>>) semaphore(%arg12 : memref<!tpu.dma_semaphore, #tpu.memory_space<semaphore_mem>>)
    %dma_start3A_489 = arith.constant 3 : i32
    %dma_start3A_490 = arith.constant 384 : i32
    %dma_start3A_491 = arith.constant 0 : i32
    %dma_start3A_492 = tpu.memref_slice %arg10[%dma_start3A_490, %dma_start3A_491] : memref<512x32xf32, #tpu.memory_space<vmem>> -> memref<128x32xf32, #tpu.memory_space<vmem>>
    %dma_start3A_493 = arith.constant 0 : i32
    %dma_start3A_494 = tpu.memref_slice %arg8[%dma_start3A_489, %dma_start3A_493] : memref<4x128xi32, #tpu.memory_space<vmem>> -> memref<1x128xi32, #tpu.memory_space<vmem>>
    %dma_start3A_495 = tpu.memref_squeeze %dma_start3A_494 : memref<1x128xi32, #tpu.memory_space<vmem>> -> memref<128xi32, #tpu.memory_space<vmem>>
    %dma_start3A_496 = arith.constant 0 : i32
    %dma_start3A_497 = arith.constant 0 : i32
    %dma_start3A_498 = tpu.memref_slice %arg4[%dma_start3A_496, %dma_start3A_497] : memref<1000000x32xf32, #tpu.memory_space<hbm>> -> memref<1000000x32xf32, #tpu.memory_space<hbm>>
    tpu.enqueue_indirect_dma source(%dma_start3A_498 : memref<1000000x32xf32, #tpu.memory_space<hbm>>) target(%dma_start3A_492 : memref<128x32xf32, #tpu.memory_space<vmem>>) offsets(%dma_start3A_495 : memref<128xi32, #tpu.memory_space<vmem>>) semaphore(%arg12 : memref<!tpu.dma_semaphore, #tpu.memory_space<semaphore_mem>>)
    %dma_wait3A = arith.constant 0 : i32
    %dma_wait3A_499 = arith.constant 0 : i32
    %dma_wait3A_500 = arith.constant 0 : i32
    %dma_wait3A_501 = tpu.memref_slice %arg9[%dma_wait3A_499, %dma_wait3A_500] : memref<512x32xf32, #tpu.memory_space<vmem>> -> memref<128x32xf32, #tpu.memory_space<vmem>>
    %dma_wait3A_502 = arith.constant 0 : i32
    %dma_wait3A_503 = tpu.memref_slice %arg7[%dma_wait3A, %dma_wait3A_502] : memref<4x128xi32, #tpu.memory_space<vmem>> -> memref<1x128xi32, #tpu.memory_space<vmem>>
    %dma_wait3A_504 = tpu.memref_squeeze %dma_wait3A_503 : memref<1x128xi32, #tpu.memory_space<vmem>> -> memref<128xi32, #tpu.memory_space<vmem>>
    %dma_wait3A_505 = arith.constant 0 : i32
    %dma_wait3A_506 = arith.constant 0 : i32
    %dma_wait3A_507 = tpu.memref_slice %arg3[%dma_wait3A_505, %dma_wait3A_506] : memref<1000000x32xf32, #tpu.memory_space<hbm>> -> memref<1000000x32xf32, #tpu.memory_space<hbm>>
    tpu.wait_indirect_dma semaphore(%arg12 : memref<!tpu.dma_semaphore, #tpu.memory_space<semaphore_mem>>) src(%dma_wait3A_507 : memref<1000000x32xf32, #tpu.memory_space<hbm>>) dst(%dma_wait3A_501 : memref<128x32xf32, #tpu.memory_space<vmem>>)
    %dma_wait3A_508 = arith.constant 0 : i32
    %dma_wait3A_509 = arith.constant 0 : i32
    %dma_wait3A_510 = arith.constant 0 : i32
    %dma_wait3A_511 = tpu.memref_slice %arg10[%dma_wait3A_509, %dma_wait3A_510] : memref<512x32xf32, #tpu.memory_space<vmem>> -> memref<128x32xf32, #tpu.memory_space<vmem>>
    %dma_wait3A_512 = arith.constant 0 : i32
    %dma_wait3A_513 = tpu.memref_slice %arg8[%dma_wait3A_508, %dma_wait3A_512] : memref<4x128xi32, #tpu.memory_space<vmem>> -> memref<1x128xi32, #tpu.memory_space<vmem>>
    %dma_wait3A_514 = tpu.memref_squeeze %dma_wait3A_513 : memref<1x128xi32, #tpu.memory_space<vmem>> -> memref<128xi32, #tpu.memory_space<vmem>>
    %dma_wait3A_515 = arith.constant 0 : i32
    %dma_wait3A_516 = arith.constant 0 : i32
    %dma_wait3A_517 = tpu.memref_slice %arg4[%dma_wait3A_515, %dma_wait3A_516] : memref<1000000x32xf32, #tpu.memory_space<hbm>> -> memref<1000000x32xf32, #tpu.memory_space<hbm>>
    tpu.wait_indirect_dma semaphore(%arg12 : memref<!tpu.dma_semaphore, #tpu.memory_space<semaphore_mem>>) src(%dma_wait3A_517 : memref<1000000x32xf32, #tpu.memory_space<hbm>>) dst(%dma_wait3A_511 : memref<128x32xf32, #tpu.memory_space<vmem>>)
    %dma_wait3A_518 = arith.constant 1 : i32
    %dma_wait3A_519 = arith.constant 128 : i32
    %dma_wait3A_520 = arith.constant 0 : i32
    %dma_wait3A_521 = tpu.memref_slice %arg9[%dma_wait3A_519, %dma_wait3A_520] : memref<512x32xf32, #tpu.memory_space<vmem>> -> memref<128x32xf32, #tpu.memory_space<vmem>>
    %dma_wait3A_522 = arith.constant 0 : i32
    %dma_wait3A_523 = tpu.memref_slice %arg7[%dma_wait3A_518, %dma_wait3A_522] : memref<4x128xi32, #tpu.memory_space<vmem>> -> memref<1x128xi32, #tpu.memory_space<vmem>>
    %dma_wait3A_524 = tpu.memref_squeeze %dma_wait3A_523 : memref<1x128xi32, #tpu.memory_space<vmem>> -> memref<128xi32, #tpu.memory_space<vmem>>
    %dma_wait3A_525 = arith.constant 0 : i32
    %dma_wait3A_526 = arith.constant 0 : i32
    %dma_wait3A_527 = tpu.memref_slice %arg3[%dma_wait3A_525, %dma_wait3A_526] : memref<1000000x32xf32, #tpu.memory_space<hbm>> -> memref<1000000x32xf32, #tpu.memory_space<hbm>>
    tpu.wait_indirect_dma semaphore(%arg12 : memref<!tpu.dma_semaphore, #tpu.memory_space<semaphore_mem>>) src(%dma_wait3A_527 : memref<1000000x32xf32, #tpu.memory_space<hbm>>) dst(%dma_wait3A_521 : memref<128x32xf32, #tpu.memory_space<vmem>>)
    %dma_wait3A_528 = arith.constant 1 : i32
    %dma_wait3A_529 = arith.constant 128 : i32
    %dma_wait3A_530 = arith.constant 0 : i32
    %dma_wait3A_531 = tpu.memref_slice %arg10[%dma_wait3A_529, %dma_wait3A_530] : memref<512x32xf32, #tpu.memory_space<vmem>> -> memref<128x32xf32, #tpu.memory_space<vmem>>
    %dma_wait3A_532 = arith.constant 0 : i32
    %dma_wait3A_533 = tpu.memref_slice %arg8[%dma_wait3A_528, %dma_wait3A_532] : memref<4x128xi32, #tpu.memory_space<vmem>> -> memref<1x128xi32, #tpu.memory_space<vmem>>
    %dma_wait3A_534 = tpu.memref_squeeze %dma_wait3A_533 : memref<1x128xi32, #tpu.memory_space<vmem>> -> memref<128xi32, #tpu.memory_space<vmem>>
    %dma_wait3A_535 = arith.constant 0 : i32
    %dma_wait3A_536 = arith.constant 0 : i32
    %dma_wait3A_537 = tpu.memref_slice %arg4[%dma_wait3A_535, %dma_wait3A_536] : memref<1000000x32xf32, #tpu.memory_space<hbm>> -> memref<1000000x32xf32, #tpu.memory_space<hbm>>
    tpu.wait_indirect_dma semaphore(%arg12 : memref<!tpu.dma_semaphore, #tpu.memory_space<semaphore_mem>>) src(%dma_wait3A_537 : memref<1000000x32xf32, #tpu.memory_space<hbm>>) dst(%dma_wait3A_531 : memref<128x32xf32, #tpu.memory_space<vmem>>)
    %dma_wait3A_538 = arith.constant 2 : i32
    %dma_wait3A_539 = arith.constant 256 : i32
    %dma_wait3A_540 = arith.constant 0 : i32
    %dma_wait3A_541 = tpu.memref_slice %arg9[%dma_wait3A_539, %dma_wait3A_540] : memref<512x32xf32, #tpu.memory_space<vmem>> -> memref<128x32xf32, #tpu.memory_space<vmem>>
    %dma_wait3A_542 = arith.constant 0 : i32
    %dma_wait3A_543 = tpu.memref_slice %arg7[%dma_wait3A_538, %dma_wait3A_542] : memref<4x128xi32, #tpu.memory_space<vmem>> -> memref<1x128xi32, #tpu.memory_space<vmem>>
    %dma_wait3A_544 = tpu.memref_squeeze %dma_wait3A_543 : memref<1x128xi32, #tpu.memory_space<vmem>> -> memref<128xi32, #tpu.memory_space<vmem>>
    %dma_wait3A_545 = arith.constant 0 : i32
    %dma_wait3A_546 = arith.constant 0 : i32
    %dma_wait3A_547 = tpu.memref_slice %arg3[%dma_wait3A_545, %dma_wait3A_546] : memref<1000000x32xf32, #tpu.memory_space<hbm>> -> memref<1000000x32xf32, #tpu.memory_space<hbm>>
    tpu.wait_indirect_dma semaphore(%arg12 : memref<!tpu.dma_semaphore, #tpu.memory_space<semaphore_mem>>) src(%dma_wait3A_547 : memref<1000000x32xf32, #tpu.memory_space<hbm>>) dst(%dma_wait3A_541 : memref<128x32xf32, #tpu.memory_space<vmem>>)
    %dma_wait3A_548 = arith.constant 2 : i32
    %dma_wait3A_549 = arith.constant 256 : i32
    %dma_wait3A_550 = arith.constant 0 : i32
    %dma_wait3A_551 = tpu.memref_slice %arg10[%dma_wait3A_549, %dma_wait3A_550] : memref<512x32xf32, #tpu.memory_space<vmem>> -> memref<128x32xf32, #tpu.memory_space<vmem>>
    %dma_wait3A_552 = arith.constant 0 : i32
    %dma_wait3A_553 = tpu.memref_slice %arg8[%dma_wait3A_548, %dma_wait3A_552] : memref<4x128xi32, #tpu.memory_space<vmem>> -> memref<1x128xi32, #tpu.memory_space<vmem>>
    %dma_wait3A_554 = tpu.memref_squeeze %dma_wait3A_553 : memref<1x128xi32, #tpu.memory_space<vmem>> -> memref<128xi32, #tpu.memory_space<vmem>>
    %dma_wait3A_555 = arith.constant 0 : i32
    %dma_wait3A_556 = arith.constant 0 : i32
    %dma_wait3A_557 = tpu.memref_slice %arg4[%dma_wait3A_555, %dma_wait3A_556] : memref<1000000x32xf32, #tpu.memory_space<hbm>> -> memref<1000000x32xf32, #tpu.memory_space<hbm>>
    tpu.wait_indirect_dma semaphore(%arg12 : memref<!tpu.dma_semaphore, #tpu.memory_space<semaphore_mem>>) src(%dma_wait3A_557 : memref<1000000x32xf32, #tpu.memory_space<hbm>>) dst(%dma_wait3A_551 : memref<128x32xf32, #tpu.memory_space<vmem>>)
    %dma_wait3A_558 = arith.constant 3 : i32
    %dma_wait3A_559 = arith.constant 384 : i32
    %dma_wait3A_560 = arith.constant 0 : i32
    %dma_wait3A_561 = tpu.memref_slice %arg9[%dma_wait3A_559, %dma_wait3A_560] : memref<512x32xf32, #tpu.memory_space<vmem>> -> memref<128x32xf32, #tpu.memory_space<vmem>>
    %dma_wait3A_562 = arith.constant 0 : i32
    %dma_wait3A_563 = tpu.memref_slice %arg7[%dma_wait3A_558, %dma_wait3A_562] : memref<4x128xi32, #tpu.memory_space<vmem>> -> memref<1x128xi32, #tpu.memory_space<vmem>>
    %dma_wait3A_564 = tpu.memref_squeeze %dma_wait3A_563 : memref<1x128xi32, #tpu.memory_space<vmem>> -> memref<128xi32, #tpu.memory_space<vmem>>
    %dma_wait3A_565 = arith.constant 0 : i32
    %dma_wait3A_566 = arith.constant 0 : i32
    %dma_wait3A_567 = tpu.memref_slice %arg3[%dma_wait3A_565, %dma_wait3A_566] : memref<1000000x32xf32, #tpu.memory_space<hbm>> -> memref<1000000x32xf32, #tpu.memory_space<hbm>>
    tpu.wait_indirect_dma semaphore(%arg12 : memref<!tpu.dma_semaphore, #tpu.memory_space<semaphore_mem>>) src(%dma_wait3A_567 : memref<1000000x32xf32, #tpu.memory_space<hbm>>) dst(%dma_wait3A_561 : memref<128x32xf32, #tpu.memory_space<vmem>>)
    %dma_wait3A_568 = arith.constant 3 : i32
    %dma_wait3A_569 = arith.constant 384 : i32
    %dma_wait3A_570 = arith.constant 0 : i32
    %dma_wait3A_571 = tpu.memref_slice %arg10[%dma_wait3A_569, %dma_wait3A_570] : memref<512x32xf32, #tpu.memory_space<vmem>> -> memref<128x32xf32, #tpu.memory_space<vmem>>
    %dma_wait3A_572 = arith.constant 0 : i32
    %dma_wait3A_573 = tpu.memref_slice %arg8[%dma_wait3A_568, %dma_wait3A_572] : memref<4x128xi32, #tpu.memory_space<vmem>> -> memref<1x128xi32, #tpu.memory_space<vmem>>
    %dma_wait3A_574 = tpu.memref_squeeze %dma_wait3A_573 : memref<1x128xi32, #tpu.memory_space<vmem>> -> memref<128xi32, #tpu.memory_space<vmem>>
    %dma_wait3A_575 = arith.constant 0 : i32
    %dma_wait3A_576 = arith.constant 0 : i32
    %dma_wait3A_577 = tpu.memref_slice %arg4[%dma_wait3A_575, %dma_wait3A_576] : memref<1000000x32xf32, #tpu.memory_space<hbm>> -> memref<1000000x32xf32, #tpu.memory_space<hbm>>
    tpu.wait_indirect_dma semaphore(%arg12 : memref<!tpu.dma_semaphore, #tpu.memory_space<semaphore_mem>>) src(%dma_wait3A_577 : memref<1000000x32xf32, #tpu.memory_space<hbm>>) dst(%dma_wait3A_571 : memref<128x32xf32, #tpu.memory_space<vmem>>)
    %scan3A = arith.constant 0 : i32
    %scan3A_578 = arith.constant 0 : i32
    %scan3A_579 = arith.constant 32 : i32
    %scan3A_580 = arith.addi %scan3A_578, %scan3A_579 : i32
    %scan3A_581 = arith.constant 1 : i32
    scf.for %scan3A_583 = %scan3A_578 to %scan3A_580 step %scan3A_581  : i32 {
      %broadcast_in_dim3A_584 = arith.constant 0.000000e+00 : f32
      %broadcast_in_dim3A_585 = vector.broadcast %broadcast_in_dim3A_584 : f32 to vector<16xf32>
      %mul3A_586 = arith.constant 16 : i32
      %mul3A_587 = arith.muli %scan3A_583, %mul3A_586 : i32
      %add3A_588 = arith.constant 0 : i32
      %add3A_589 = arith.addi %mul3A_587, %add3A_588 : i32
      %get3A = arith.index_cast %add3A_589 : i32 to index
      %get3A_590 = arith.constant 0 : index
      %get3A_591 = tpu.vector_load %arg9[%get3A, %get3A_590] {strides = array<i32>} : memref<512x32xf32, #tpu.memory_space<vmem>>, vector<16xf32>,
      %get3A_592 = arith.index_cast %add3A_589 : i32 to index
      %get3A_593 = arith.constant 16 : index
      %get3A_594 = tpu.vector_load %arg9[%get3A_592, %get3A_593] {strides = array<i32>} : memref<512x32xf32, #tpu.memory_space<vmem>>, vector<16xf32>,
      %get3A_595 = arith.index_cast %add3A_589 : i32 to index
      %get3A_596 = arith.constant 0 : index
      %get3A_597 = tpu.vector_load %arg10[%get3A_595, %get3A_596] {strides = array<i32>} : memref<512x32xf32, #tpu.memory_space<vmem>>, vector<16xf32>,
      %get3A_598 = arith.index_cast %add3A_589 : i32 to index
      %get3A_599 = arith.constant 16 : index
      %get3A_600 = tpu.vector_load %arg10[%get3A_598, %get3A_599] {strides = array<i32>} : memref<512x32xf32, #tpu.memory_space<vmem>>, vector<16xf32>,
      %mul3A_601 = arith.mulf %get3A_591, %get3A_597 : vector<16xf32>
      %mul3A_602 = arith.mulf %get3A_594, %get3A_600 : vector<16xf32>
      %add3A_603 = arith.addf %mul3A_601, %mul3A_602 : vector<16xf32>
      %reduce_sum3A = arith.constant true
      %reduce_sum3A_604 = vector.broadcast %reduce_sum3A : i1 to vector<16xi1>
      %reduce_sum3A_605 = tpu.scan <sum>, %add3A_603 masked %reduce_sum3A_604 : vector<16xf32>, vector<16xi1> -> vector<16xf32>
      %reduce_sum3A_606 = vector.extract %reduce_sum3A_605[15] : f32 from vector<16xf32>
      %eq3A = arith.constant 0 : i32
      %eq3A_607 = vector.broadcast %eq3A : i32 to vector<16xi32>
      %eq3A_608 = arith.cmpi eq, %iota3A, %eq3A_607 : vector<16xi32>
      %broadcast_in_dim3A_609 = vector.broadcast %reduce_sum3A_606 : f32 to vector<16xf32>
      %select_n3A = arith.select %eq3A_608, %broadcast_in_dim3A_609, %broadcast_in_dim3A_585 : vector<16xi1>, vector<16xf32>
      %mul3A_610 = arith.constant 16 : i32
      %mul3A_611 = arith.muli %scan3A_583, %mul3A_610 : i32
      %add3A_612 = arith.constant 1 : i32
      %add3A_613 = arith.addi %mul3A_611, %add3A_612 : i32
      %get3A_614 = arith.index_cast %add3A_613 : i32 to index
      %get3A_615 = arith.constant 0 : index
      %get3A_616 = tpu.vector_load %arg9[%get3A_614, %get3A_615] {strides = array<i32>} : memref<512x32xf32, #tpu.memory_space<vmem>>, vector<16xf32>,
      %get3A_617 = arith.index_cast %add3A_613 : i32 to index
      %get3A_618 = arith.constant 16 : index
      %get3A_619 = tpu.vector_load %arg9[%get3A_617, %get3A_618] {strides = array<i32>} : memref<512x32xf32, #tpu.memory_space<vmem>>, vector<16xf32>,
      %get3A_620 = arith.index_cast %add3A_613 : i32 to index
      %get3A_621 = arith.constant 0 : index
      %get3A_622 = tpu.vector_load %arg10[%get3A_620, %get3A_621] {strides = array<i32>} : memref<512x32xf32, #tpu.memory_space<vmem>>, vector<16xf32>,
      %get3A_623 = arith.index_cast %add3A_613 : i32 to index
      %get3A_624 = arith.constant 16 : index
      %get3A_625 = tpu.vector_load %arg10[%get3A_623, %get3A_624] {strides = array<i32>} : memref<512x32xf32, #tpu.memory_space<vmem>>, vector<16xf32>,
      %mul3A_626 = arith.mulf %get3A_616, %get3A_622 : vector<16xf32>
      %mul3A_627 = arith.mulf %get3A_619, %get3A_625 : vector<16xf32>
      %add3A_628 = arith.addf %mul3A_626, %mul3A_627 : vector<16xf32>
      %reduce_sum3A_629 = arith.constant true
      %reduce_sum3A_630 = vector.broadcast %reduce_sum3A_629 : i1 to vector<16xi1>
      %reduce_sum3A_631 = tpu.scan <sum>, %add3A_628 masked %reduce_sum3A_630 : vector<16xf32>, vector<16xi1> -> vector<16xf32>
      %reduce_sum3A_632 = vector.extract %reduce_sum3A_631[15] : f32 from vector<16xf32>
      %eq3A_633 = arith.constant 1 : i32
      %eq3A_634 = vector.broadcast %eq3A_633 : i32 to vector<16xi32>
      %eq3A_635 = arith.cmpi eq, %iota3A, %eq3A_634 : vector<16xi32>
      %broadcast_in_dim3A_636 = vector.broadcast %reduce_sum3A_632 : f32 to vector<16xf32>
      %select_n3A_637 = arith.select %eq3A_635, %broadcast_in_dim3A_636, %select_n3A : vector<16xi1>, vector<16xf32>
      %mul3A_638 = arith.constant 16 : i32
      %mul3A_639 = arith.muli %scan3A_583, %mul3A_638 : i32
      %add3A_640 = arith.constant 2 : i32
      %add3A_641 = arith.addi %mul3A_639, %add3A_640 : i32
      %get3A_642 = arith.index_cast %add3A_641 : i32 to index
      %get3A_643 = arith.constant 0 : index
      %get3A_644 = tpu.vector_load %arg9[%get3A_642, %get3A_643] {strides = array<i32>} : memref<512x32xf32, #tpu.memory_space<vmem>>, vector<16xf32>,
      %get3A_645 = arith.index_cast %add3A_641 : i32 to index
      %get3A_646 = arith.constant 16 : index
      %get3A_647 = tpu.vector_load %arg9[%get3A_645, %get3A_646] {strides = array<i32>} : memref<512x32xf32, #tpu.memory_space<vmem>>, vector<16xf32>,
      %get3A_648 = arith.index_cast %add3A_641 : i32 to index
      %get3A_649 = arith.constant 0 : index
      %get3A_650 = tpu.vector_load %arg10[%get3A_648, %get3A_649] {strides = array<i32>} : memref<512x32xf32, #tpu.memory_space<vmem>>, vector<16xf32>,
      %get3A_651 = arith.index_cast %add3A_641 : i32 to index
      %get3A_652 = arith.constant 16 : index
      %get3A_653 = tpu.vector_load %arg10[%get3A_651, %get3A_652] {strides = array<i32>} : memref<512x32xf32, #tpu.memory_space<vmem>>, vector<16xf32>,
      %mul3A_654 = arith.mulf %get3A_644, %get3A_650 : vector<16xf32>
      %mul3A_655 = arith.mulf %get3A_647, %get3A_653 : vector<16xf32>
      %add3A_656 = arith.addf %mul3A_654, %mul3A_655 : vector<16xf32>
      %reduce_sum3A_657 = arith.constant true
      %reduce_sum3A_658 = vector.broadcast %reduce_sum3A_657 : i1 to vector<16xi1>
      %reduce_sum3A_659 = tpu.scan <sum>, %add3A_656 masked %reduce_sum3A_658 : vector<16xf32>, vector<16xi1> -> vector<16xf32>
      %reduce_sum3A_660 = vector.extract %reduce_sum3A_659[15] : f32 from vector<16xf32>
      %eq3A_661 = arith.constant 2 : i32
      %eq3A_662 = vector.broadcast %eq3A_661 : i32 to vector<16xi32>
      %eq3A_663 = arith.cmpi eq, %iota3A, %eq3A_662 : vector<16xi32>
      %broadcast_in_dim3A_664 = vector.broadcast %reduce_sum3A_660 : f32 to vector<16xf32>
      %select_n3A_665 = arith.select %eq3A_663, %broadcast_in_dim3A_664, %select_n3A_637 : vector<16xi1>, vector<16xf32>
      %mul3A_666 = arith.constant 16 : i32
      %mul3A_667 = arith.muli %scan3A_583, %mul3A_666 : i32
      %add3A_668 = arith.constant 3 : i32
      %add3A_669 = arith.addi %mul3A_667, %add3A_668 : i32
      %get3A_670 = arith.index_cast %add3A_669 : i32 to index
      %get3A_671 = arith.constant 0 : index
      %get3A_672 = tpu.vector_load %arg9[%get3A_670, %get3A_671] {strides = array<i32>} : memref<512x32xf32, #tpu.memory_space<vmem>>, vector<16xf32>,
      %get3A_673 = arith.index_cast %add3A_669 : i32 to index
      %get3A_674 = arith.constant 16 : index
      %get3A_675 = tpu.vector_load %arg9[%get3A_673, %get3A_674] {strides = array<i32>} : memref<512x32xf32, #tpu.memory_space<vmem>>, vector<16xf32>,
      %get3A_676 = arith.index_cast %add3A_669 : i32 to index
      %get3A_677 = arith.constant 0 : index
      %get3A_678 = tpu.vector_load %arg10[%get3A_676, %get3A_677] {strides = array<i32>} : memref<512x32xf32, #tpu.memory_space<vmem>>, vector<16xf32>,
      %get3A_679 = arith.index_cast %add3A_669 : i32 to index
      %get3A_680 = arith.constant 16 : index
      %get3A_681 = tpu.vector_load %arg10[%get3A_679, %get3A_680] {strides = array<i32>} : memref<512x32xf32, #tpu.memory_space<vmem>>, vector<16xf32>,
      %mul3A_682 = arith.mulf %get3A_672, %get3A_678 : vector<16xf32>
      %mul3A_683 = arith.mulf %get3A_675, %get3A_681 : vector<16xf32>
      %add3A_684 = arith.addf %mul3A_682, %mul3A_683 : vector<16xf32>
      %reduce_sum3A_685 = arith.constant true
      %reduce_sum3A_686 = vector.broadcast %reduce_sum3A_685 : i1 to vector<16xi1>
      %reduce_sum3A_687 = tpu.scan <sum>, %add3A_684 masked %reduce_sum3A_686 : vector<16xf32>, vector<16xi1> -> vector<16xf32>
      %reduce_sum3A_688 = vector.extract %reduce_sum3A_687[15] : f32 from vector<16xf32>
      %eq3A_689 = arith.constant 3 : i32
      %eq3A_690 = vector.broadcast %eq3A_689 : i32 to vector<16xi32>
      %eq3A_691 = arith.cmpi eq, %iota3A, %eq3A_690 : vector<16xi32>
      %broadcast_in_dim3A_692 = vector.broadcast %reduce_sum3A_688 : f32 to vector<16xf32>
      %select_n3A_693 = arith.select %eq3A_691, %broadcast_in_dim3A_692, %select_n3A_665 : vector<16xi1>, vector<16xf32>
      %mul3A_694 = arith.constant 16 : i32
      %mul3A_695 = arith.muli %scan3A_583, %mul3A_694 : i32
      %add3A_696 = arith.constant 4 : i32
      %add3A_697 = arith.addi %mul3A_695, %add3A_696 : i32
      %get3A_698 = arith.index_cast %add3A_697 : i32 to index
      %get3A_699 = arith.constant 0 : index
      %get3A_700 = tpu.vector_load %arg9[%get3A_698, %get3A_699] {strides = array<i32>} : memref<512x32xf32, #tpu.memory_space<vmem>>, vector<16xf32>,
      %get3A_701 = arith.index_cast %add3A_697 : i32 to index
      %get3A_702 = arith.constant 16 : index
      %get3A_703 = tpu.vector_load %arg9[%get3A_701, %get3A_702] {strides = array<i32>} : memref<512x32xf32, #tpu.memory_space<vmem>>, vector<16xf32>,
      %get3A_704 = arith.index_cast %add3A_697 : i32 to index
      %get3A_705 = arith.constant 0 : index
      %get3A_706 = tpu.vector_load %arg10[%get3A_704, %get3A_705] {strides = array<i32>} : memref<512x32xf32, #tpu.memory_space<vmem>>, vector<16xf32>,
      %get3A_707 = arith.index_cast %add3A_697 : i32 to index
      %get3A_708 = arith.constant 16 : index
      %get3A_709 = tpu.vector_load %arg10[%get3A_707, %get3A_708] {strides = array<i32>} : memref<512x32xf32, #tpu.memory_space<vmem>>, vector<16xf32>,
      %mul3A_710 = arith.mulf %get3A_700, %get3A_706 : vector<16xf32>
      %mul3A_711 = arith.mulf %get3A_703, %get3A_709 : vector<16xf32>
      %add3A_712 = arith.addf %mul3A_710, %mul3A_711 : vector<16xf32>
      %reduce_sum3A_713 = arith.constant true
      %reduce_sum3A_714 = vector.broadcast %reduce_sum3A_713 : i1 to vector<16xi1>
      %reduce_sum3A_715 = tpu.scan <sum>, %add3A_712 masked %reduce_sum3A_714 : vector<16xf32>, vector<16xi1> -> vector<16xf32>
      %reduce_sum3A_716 = vector.extract %reduce_sum3A_715[15] : f32 from vector<16xf32>
      %eq3A_717 = arith.constant 4 : i32
      %eq3A_718 = vector.broadcast %eq3A_717 : i32 to vector<16xi32>
      %eq3A_719 = arith.cmpi eq, %iota3A, %eq3A_718 : vector<16xi32>
      %broadcast_in_dim3A_720 = vector.broadcast %reduce_sum3A_716 : f32 to vector<16xf32>
      %select_n3A_721 = arith.select %eq3A_719, %broadcast_in_dim3A_720, %select_n3A_693 : vector<16xi1>, vector<16xf32>
      %mul3A_722 = arith.constant 16 : i32
      %mul3A_723 = arith.muli %scan3A_583, %mul3A_722 : i32
      %add3A_724 = arith.constant 5 : i32
      %add3A_725 = arith.addi %mul3A_723, %add3A_724 : i32
      %get3A_726 = arith.index_cast %add3A_725 : i32 to index
      %get3A_727 = arith.constant 0 : index
      %get3A_728 = tpu.vector_load %arg9[%get3A_726, %get3A_727] {strides = array<i32>} : memref<512x32xf32, #tpu.memory_space<vmem>>, vector<16xf32>,
      %get3A_729 = arith.index_cast %add3A_725 : i32 to index
      %get3A_730 = arith.constant 16 : index
      %get3A_731 = tpu.vector_load %arg9[%get3A_729, %get3A_730] {strides = array<i32>} : memref<512x32xf32, #tpu.memory_space<vmem>>, vector<16xf32>,
      %get3A_732 = arith.index_cast %add3A_725 : i32 to index
      %get3A_733 = arith.constant 0 : index
      %get3A_734 = tpu.vector_load %arg10[%get3A_732, %get3A_733] {strides = array<i32>} : memref<512x32xf32, #tpu.memory_space<vmem>>, vector<16xf32>,
      %get3A_735 = arith.index_cast %add3A_725 : i32 to index
      %get3A_736 = arith.constant 16 : index
      %get3A_737 = tpu.vector_load %arg10[%get3A_735, %get3A_736] {strides = array<i32>} : memref<512x32xf32, #tpu.memory_space<vmem>>, vector<16xf32>,
      %mul3A_738 = arith.mulf %get3A_728, %get3A_734 : vector<16xf32>
      %mul3A_739 = arith.mulf %get3A_731, %get3A_737 : vector<16xf32>
      %add3A_740 = arith.addf %mul3A_738, %mul3A_739 : vector<16xf32>
      %reduce_sum3A_741 = arith.constant true
      %reduce_sum3A_742 = vector.broadcast %reduce_sum3A_741 : i1 to vector<16xi1>
      %reduce_sum3A_743 = tpu.scan <sum>, %add3A_740 masked %reduce_sum3A_742 : vector<16xf32>, vector<16xi1> -> vector<16xf32>
      %reduce_sum3A_744 = vector.extract %reduce_sum3A_743[15] : f32 from vector<16xf32>
      %eq3A_745 = arith.constant 5 : i32
      %eq3A_746 = vector.broadcast %eq3A_745 : i32 to vector<16xi32>
      %eq3A_747 = arith.cmpi eq, %iota3A, %eq3A_746 : vector<16xi32>
      %broadcast_in_dim3A_748 = vector.broadcast %reduce_sum3A_744 : f32 to vector<16xf32>
      %select_n3A_749 = arith.select %eq3A_747, %broadcast_in_dim3A_748, %select_n3A_721 : vector<16xi1>, vector<16xf32>
      %mul3A_750 = arith.constant 16 : i32
      %mul3A_751 = arith.muli %scan3A_583, %mul3A_750 : i32
      %add3A_752 = arith.constant 6 : i32
      %add3A_753 = arith.addi %mul3A_751, %add3A_752 : i32
      %get3A_754 = arith.index_cast %add3A_753 : i32 to index
      %get3A_755 = arith.constant 0 : index
      %get3A_756 = tpu.vector_load %arg9[%get3A_754, %get3A_755] {strides = array<i32>} : memref<512x32xf32, #tpu.memory_space<vmem>>, vector<16xf32>,
      %get3A_757 = arith.index_cast %add3A_753 : i32 to index
      %get3A_758 = arith.constant 16 : index
      %get3A_759 = tpu.vector_load %arg9[%get3A_757, %get3A_758] {strides = array<i32>} : memref<512x32xf32, #tpu.memory_space<vmem>>, vector<16xf32>,
      %get3A_760 = arith.index_cast %add3A_753 : i32 to index
      %get3A_761 = arith.constant 0 : index
      %get3A_762 = tpu.vector_load %arg10[%get3A_760, %get3A_761] {strides = array<i32>} : memref<512x32xf32, #tpu.memory_space<vmem>>, vector<16xf32>,
      %get3A_763 = arith.index_cast %add3A_753 : i32 to index
      %get3A_764 = arith.constant 16 : index
      %get3A_765 = tpu.vector_load %arg10[%get3A_763, %get3A_764] {strides = array<i32>} : memref<512x32xf32, #tpu.memory_space<vmem>>, vector<16xf32>,
      %mul3A_766 = arith.mulf %get3A_756, %get3A_762 : vector<16xf32>
      %mul3A_767 = arith.mulf %get3A_759, %get3A_765 : vector<16xf32>
      %add3A_768 = arith.addf %mul3A_766, %mul3A_767 : vector<16xf32>
      %reduce_sum3A_769 = arith.constant true
      %reduce_sum3A_770 = vector.broadcast %reduce_sum3A_769 : i1 to vector<16xi1>
      %reduce_sum3A_771 = tpu.scan <sum>, %add3A_768 masked %reduce_sum3A_770 : vector<16xf32>, vector<16xi1> -> vector<16xf32>
      %reduce_sum3A_772 = vector.extract %reduce_sum3A_771[15] : f32 from vector<16xf32>
      %eq3A_773 = arith.constant 6 : i32
      %eq3A_774 = vector.broadcast %eq3A_773 : i32 to vector<16xi32>
      %eq3A_775 = arith.cmpi eq, %iota3A, %eq3A_774 : vector<16xi32>
      %broadcast_in_dim3A_776 = vector.broadcast %reduce_sum3A_772 : f32 to vector<16xf32>
      %select_n3A_777 = arith.select %eq3A_775, %broadcast_in_dim3A_776, %select_n3A_749 : vector<16xi1>, vector<16xf32>
      %mul3A_778 = arith.constant 16 : i32
      %mul3A_779 = arith.muli %scan3A_583, %mul3A_778 : i32
      %add3A_780 = arith.constant 7 : i32
      %add3A_781 = arith.addi %mul3A_779, %add3A_780 : i32
      %get3A_782 = arith.index_cast %add3A_781 : i32 to index
      %get3A_783 = arith.constant 0 : index
      %get3A_784 = tpu.vector_load %arg9[%get3A_782, %get3A_783] {strides = array<i32>} : memref<512x32xf32, #tpu.memory_space<vmem>>, vector<16xf32>,
      %get3A_785 = arith.index_cast %add3A_781 : i32 to index
      %get3A_786 = arith.constant 16 : index
      %get3A_787 = tpu.vector_load %arg9[%get3A_785, %get3A_786] {strides = array<i32>} : memref<512x32xf32, #tpu.memory_space<vmem>>, vector<16xf32>,
      %get3A_788 = arith.index_cast %add3A_781 : i32 to index
      %get3A_789 = arith.constant 0 : index
      %get3A_790 = tpu.vector_load %arg10[%get3A_788, %get3A_789] {strides = array<i32>} : memref<512x32xf32, #tpu.memory_space<vmem>>, vector<16xf32>,
      %get3A_791 = arith.index_cast %add3A_781 : i32 to index
      %get3A_792 = arith.constant 16 : index
      %get3A_793 = tpu.vector_load %arg10[%get3A_791, %get3A_792] {strides = array<i32>} : memref<512x32xf32, #tpu.memory_space<vmem>>, vector<16xf32>,
      %mul3A_794 = arith.mulf %get3A_784, %get3A_790 : vector<16xf32>
      %mul3A_795 = arith.mulf %get3A_787, %get3A_793 : vector<16xf32>
      %add3A_796 = arith.addf %mul3A_794, %mul3A_795 : vector<16xf32>
      %reduce_sum3A_797 = arith.constant true
      %reduce_sum3A_798 = vector.broadcast %reduce_sum3A_797 : i1 to vector<16xi1>
      %reduce_sum3A_799 = tpu.scan <sum>, %add3A_796 masked %reduce_sum3A_798 : vector<16xf32>, vector<16xi1> -> vector<16xf32>
      %reduce_sum3A_800 = vector.extract %reduce_sum3A_799[15] : f32 from vector<16xf32>
      %eq3A_801 = arith.constant 7 : i32
      %eq3A_802 = vector.broadcast %eq3A_801 : i32 to vector<16xi32>
      %eq3A_803 = arith.cmpi eq, %iota3A, %eq3A_802 : vector<16xi32>
      %broadcast_in_dim3A_804 = vector.broadcast %reduce_sum3A_800 : f32 to vector<16xf32>
      %select_n3A_805 = arith.select %eq3A_803, %broadcast_in_dim3A_804, %select_n3A_777 : vector<16xi1>, vector<16xf32>
      %mul3A_806 = arith.constant 16 : i32
      %mul3A_807 = arith.muli %scan3A_583, %mul3A_806 : i32
      %add3A_808 = arith.constant 8 : i32
      %add3A_809 = arith.addi %mul3A_807, %add3A_808 : i32
      %get3A_810 = arith.index_cast %add3A_809 : i32 to index
      %get3A_811 = arith.constant 0 : index
      %get3A_812 = tpu.vector_load %arg9[%get3A_810, %get3A_811] {strides = array<i32>} : memref<512x32xf32, #tpu.memory_space<vmem>>, vector<16xf32>,
      %get3A_813 = arith.index_cast %add3A_809 : i32 to index
      %get3A_814 = arith.constant 16 : index
      %get3A_815 = tpu.vector_load %arg9[%get3A_813, %get3A_814] {strides = array<i32>} : memref<512x32xf32, #tpu.memory_space<vmem>>, vector<16xf32>,
      %get3A_816 = arith.index_cast %add3A_809 : i32 to index
      %get3A_817 = arith.constant 0 : index
      %get3A_818 = tpu.vector_load %arg10[%get3A_816, %get3A_817] {strides = array<i32>} : memref<512x32xf32, #tpu.memory_space<vmem>>, vector<16xf32>,
      %get3A_819 = arith.index_cast %add3A_809 : i32 to index
      %get3A_820 = arith.constant 16 : index
      %get3A_821 = tpu.vector_load %arg10[%get3A_819, %get3A_820] {strides = array<i32>} : memref<512x32xf32, #tpu.memory_space<vmem>>, vector<16xf32>,
      %mul3A_822 = arith.mulf %get3A_812, %get3A_818 : vector<16xf32>
      %mul3A_823 = arith.mulf %get3A_815, %get3A_821 : vector<16xf32>
      %add3A_824 = arith.addf %mul3A_822, %mul3A_823 : vector<16xf32>
      %reduce_sum3A_825 = arith.constant true
      %reduce_sum3A_826 = vector.broadcast %reduce_sum3A_825 : i1 to vector<16xi1>
      %reduce_sum3A_827 = tpu.scan <sum>, %add3A_824 masked %reduce_sum3A_826 : vector<16xf32>, vector<16xi1> -> vector<16xf32>
      %reduce_sum3A_828 = vector.extract %reduce_sum3A_827[15] : f32 from vector<16xf32>
      %eq3A_829 = arith.constant 8 : i32
      %eq3A_830 = vector.broadcast %eq3A_829 : i32 to vector<16xi32>
      %eq3A_831 = arith.cmpi eq, %iota3A, %eq3A_830 : vector<16xi32>
      %broadcast_in_dim3A_832 = vector.broadcast %reduce_sum3A_828 : f32 to vector<16xf32>
      %select_n3A_833 = arith.select %eq3A_831, %broadcast_in_dim3A_832, %select_n3A_805 : vector<16xi1>, vector<16xf32>
      %mul3A_834 = arith.constant 16 : i32
      %mul3A_835 = arith.muli %scan3A_583, %mul3A_834 : i32
      %add3A_836 = arith.constant 9 : i32
      %add3A_837 = arith.addi %mul3A_835, %add3A_836 : i32
      %get3A_838 = arith.index_cast %add3A_837 : i32 to index
      %get3A_839 = arith.constant 0 : index
      %get3A_840 = tpu.vector_load %arg9[%get3A_838, %get3A_839] {strides = array<i32>} : memref<512x32xf32, #tpu.memory_space<vmem>>, vector<16xf32>,
      %get3A_841 = arith.index_cast %add3A_837 : i32 to index
      %get3A_842 = arith.constant 16 : index
      %get3A_843 = tpu.vector_load %arg9[%get3A_841, %get3A_842] {strides = array<i32>} : memref<512x32xf32, #tpu.memory_space<vmem>>, vector<16xf32>,
      %get3A_844 = arith.index_cast %add3A_837 : i32 to index
      %get3A_845 = arith.constant 0 : index
      %get3A_846 = tpu.vector_load %arg10[%get3A_844, %get3A_845] {strides = array<i32>} : memref<512x32xf32, #tpu.memory_space<vmem>>, vector<16xf32>,
      %get3A_847 = arith.index_cast %add3A_837 : i32 to index
      %get3A_848 = arith.constant 16 : index
      %get3A_849 = tpu.vector_load %arg10[%get3A_847, %get3A_848] {strides = array<i32>} : memref<512x32xf32, #tpu.memory_space<vmem>>, vector<16xf32>,
      %mul3A_850 = arith.mulf %get3A_840, %get3A_846 : vector<16xf32>
      %mul3A_851 = arith.mulf %get3A_843, %get3A_849 : vector<16xf32>
      %add3A_852 = arith.addf %mul3A_850, %mul3A_851 : vector<16xf32>
      %reduce_sum3A_853 = arith.constant true
      %reduce_sum3A_854 = vector.broadcast %reduce_sum3A_853 : i1 to vector<16xi1>
      %reduce_sum3A_855 = tpu.scan <sum>, %add3A_852 masked %reduce_sum3A_854 : vector<16xf32>, vector<16xi1> -> vector<16xf32>
      %reduce_sum3A_856 = vector.extract %reduce_sum3A_855[15] : f32 from vector<16xf32>
      %eq3A_857 = arith.constant 9 : i32
      %eq3A_858 = vector.broadcast %eq3A_857 : i32 to vector<16xi32>
      %eq3A_859 = arith.cmpi eq, %iota3A, %eq3A_858 : vector<16xi32>
      %broadcast_in_dim3A_860 = vector.broadcast %reduce_sum3A_856 : f32 to vector<16xf32>
      %select_n3A_861 = arith.select %eq3A_859, %broadcast_in_dim3A_860, %select_n3A_833 : vector<16xi1>, vector<16xf32>
      %mul3A_862 = arith.constant 16 : i32
      %mul3A_863 = arith.muli %scan3A_583, %mul3A_862 : i32
      %add3A_864 = arith.constant 10 : i32
      %add3A_865 = arith.addi %mul3A_863, %add3A_864 : i32
      %get3A_866 = arith.index_cast %add3A_865 : i32 to index
      %get3A_867 = arith.constant 0 : index
      %get3A_868 = tpu.vector_load %arg9[%get3A_866, %get3A_867] {strides = array<i32>} : memref<512x32xf32, #tpu.memory_space<vmem>>, vector<16xf32>,
      %get3A_869 = arith.index_cast %add3A_865 : i32 to index
      %get3A_870 = arith.constant 16 : index
      %get3A_871 = tpu.vector_load %arg9[%get3A_869, %get3A_870] {strides = array<i32>} : memref<512x32xf32, #tpu.memory_space<vmem>>, vector<16xf32>,
      %get3A_872 = arith.index_cast %add3A_865 : i32 to index
      %get3A_873 = arith.constant 0 : index
      %get3A_874 = tpu.vector_load %arg10[%get3A_872, %get3A_873] {strides = array<i32>} : memref<512x32xf32, #tpu.memory_space<vmem>>, vector<16xf32>,
      %get3A_875 = arith.index_cast %add3A_865 : i32 to index
      %get3A_876 = arith.constant 16 : index
      %get3A_877 = tpu.vector_load %arg10[%get3A_875, %get3A_876] {strides = array<i32>} : memref<512x32xf32, #tpu.memory_space<vmem>>, vector<16xf32>,
      %mul3A_878 = arith.mulf %get3A_868, %get3A_874 : vector<16xf32>
      %mul3A_879 = arith.mulf %get3A_871, %get3A_877 : vector<16xf32>
      %add3A_880 = arith.addf %mul3A_878, %mul3A_879 : vector<16xf32>
      %reduce_sum3A_881 = arith.constant true
      %reduce_sum3A_882 = vector.broadcast %reduce_sum3A_881 : i1 to vector<16xi1>
      %reduce_sum3A_883 = tpu.scan <sum>, %add3A_880 masked %reduce_sum3A_882 : vector<16xf32>, vector<16xi1> -> vector<16xf32>
      %reduce_sum3A_884 = vector.extract %reduce_sum3A_883[15] : f32 from vector<16xf32>
      %eq3A_885 = arith.constant 10 : i32
      %eq3A_886 = vector.broadcast %eq3A_885 : i32 to vector<16xi32>
      %eq3A_887 = arith.cmpi eq, %iota3A, %eq3A_886 : vector<16xi32>
      %broadcast_in_dim3A_888 = vector.broadcast %reduce_sum3A_884 : f32 to vector<16xf32>
      %select_n3A_889 = arith.select %eq3A_887, %broadcast_in_dim3A_888, %select_n3A_861 : vector<16xi1>, vector<16xf32>
      %mul3A_890 = arith.constant 16 : i32
      %mul3A_891 = arith.muli %scan3A_583, %mul3A_890 : i32
      %add3A_892 = arith.constant 11 : i32
      %add3A_893 = arith.addi %mul3A_891, %add3A_892 : i32
      %get3A_894 = arith.index_cast %add3A_893 : i32 to index
      %get3A_895 = arith.constant 0 : index
      %get3A_896 = tpu.vector_load %arg9[%get3A_894, %get3A_895] {strides = array<i32>} : memref<512x32xf32, #tpu.memory_space<vmem>>, vector<16xf32>,
      %get3A_897 = arith.index_cast %add3A_893 : i32 to index
      %get3A_898 = arith.constant 16 : index
      %get3A_899 = tpu.vector_load %arg9[%get3A_897, %get3A_898] {strides = array<i32>} : memref<512x32xf32, #tpu.memory_space<vmem>>, vector<16xf32>,
      %get3A_900 = arith.index_cast %add3A_893 : i32 to index
      %get3A_901 = arith.constant 0 : index
      %get3A_902 = tpu.vector_load %arg10[%get3A_900, %get3A_901] {strides = array<i32>} : memref<512x32xf32, #tpu.memory_space<vmem>>, vector<16xf32>,
      %get3A_903 = arith.index_cast %add3A_893 : i32 to index
      %get3A_904 = arith.constant 16 : index
      %get3A_905 = tpu.vector_load %arg10[%get3A_903, %get3A_904] {strides = array<i32>} : memref<512x32xf32, #tpu.memory_space<vmem>>, vector<16xf32>,
      %mul3A_906 = arith.mulf %get3A_896, %get3A_902 : vector<16xf32>
      %mul3A_907 = arith.mulf %get3A_899, %get3A_905 : vector<16xf32>
      %add3A_908 = arith.addf %mul3A_906, %mul3A_907 : vector<16xf32>
      %reduce_sum3A_909 = arith.constant true
      %reduce_sum3A_910 = vector.broadcast %reduce_sum3A_909 : i1 to vector<16xi1>
      %reduce_sum3A_911 = tpu.scan <sum>, %add3A_908 masked %reduce_sum3A_910 : vector<16xf32>, vector<16xi1> -> vector<16xf32>
      %reduce_sum3A_912 = vector.extract %reduce_sum3A_911[15] : f32 from vector<16xf32>
      %eq3A_913 = arith.constant 11 : i32
      %eq3A_914 = vector.broadcast %eq3A_913 : i32 to vector<16xi32>
      %eq3A_915 = arith.cmpi eq, %iota3A, %eq3A_914 : vector<16xi32>
      %broadcast_in_dim3A_916 = vector.broadcast %reduce_sum3A_912 : f32 to vector<16xf32>
      %select_n3A_917 = arith.select %eq3A_915, %broadcast_in_dim3A_916, %select_n3A_889 : vector<16xi1>, vector<16xf32>
      %mul3A_918 = arith.constant 16 : i32
      %mul3A_919 = arith.muli %scan3A_583, %mul3A_918 : i32
      %add3A_920 = arith.constant 12 : i32
      %add3A_921 = arith.addi %mul3A_919, %add3A_920 : i32
      %get3A_922 = arith.index_cast %add3A_921 : i32 to index
      %get3A_923 = arith.constant 0 : index
      %get3A_924 = tpu.vector_load %arg9[%get3A_922, %get3A_923] {strides = array<i32>} : memref<512x32xf32, #tpu.memory_space<vmem>>, vector<16xf32>,
      %get3A_925 = arith.index_cast %add3A_921 : i32 to index
      %get3A_926 = arith.constant 16 : index
      %get3A_927 = tpu.vector_load %arg9[%get3A_925, %get3A_926] {strides = array<i32>} : memref<512x32xf32, #tpu.memory_space<vmem>>, vector<16xf32>,
      %get3A_928 = arith.index_cast %add3A_921 : i32 to index
      %get3A_929 = arith.constant 0 : index
      %get3A_930 = tpu.vector_load %arg10[%get3A_928, %get3A_929] {strides = array<i32>} : memref<512x32xf32, #tpu.memory_space<vmem>>, vector<16xf32>,
      %get3A_931 = arith.index_cast %add3A_921 : i32 to index
      %get3A_932 = arith.constant 16 : index
      %get3A_933 = tpu.vector_load %arg10[%get3A_931, %get3A_932] {strides = array<i32>} : memref<512x32xf32, #tpu.memory_space<vmem>>, vector<16xf32>,
      %mul3A_934 = arith.mulf %get3A_924, %get3A_930 : vector<16xf32>
      %mul3A_935 = arith.mulf %get3A_927, %get3A_933 : vector<16xf32>
      %add3A_936 = arith.addf %mul3A_934, %mul3A_935 : vector<16xf32>
      %reduce_sum3A_937 = arith.constant true
      %reduce_sum3A_938 = vector.broadcast %reduce_sum3A_937 : i1 to vector<16xi1>
      %reduce_sum3A_939 = tpu.scan <sum>, %add3A_936 masked %reduce_sum3A_938 : vector<16xf32>, vector<16xi1> -> vector<16xf32>
      %reduce_sum3A_940 = vector.extract %reduce_sum3A_939[15] : f32 from vector<16xf32>
      %eq3A_941 = arith.constant 12 : i32
      %eq3A_942 = vector.broadcast %eq3A_941 : i32 to vector<16xi32>
      %eq3A_943 = arith.cmpi eq, %iota3A, %eq3A_942 : vector<16xi32>
      %broadcast_in_dim3A_944 = vector.broadcast %reduce_sum3A_940 : f32 to vector<16xf32>
      %select_n3A_945 = arith.select %eq3A_943, %broadcast_in_dim3A_944, %select_n3A_917 : vector<16xi1>, vector<16xf32>
      %mul3A_946 = arith.constant 16 : i32
      %mul3A_947 = arith.muli %scan3A_583, %mul3A_946 : i32
      %add3A_948 = arith.constant 13 : i32
      %add3A_949 = arith.addi %mul3A_947, %add3A_948 : i32
      %get3A_950 = arith.index_cast %add3A_949 : i32 to index
      %get3A_951 = arith.constant 0 : index
      %get3A_952 = tpu.vector_load %arg9[%get3A_950, %get3A_951] {strides = array<i32>} : memref<512x32xf32, #tpu.memory_space<vmem>>, vector<16xf32>,
      %get3A_953 = arith.index_cast %add3A_949 : i32 to index
      %get3A_954 = arith.constant 16 : index
      %get3A_955 = tpu.vector_load %arg9[%get3A_953, %get3A_954] {strides = array<i32>} : memref<512x32xf32, #tpu.memory_space<vmem>>, vector<16xf32>,
      %get3A_956 = arith.index_cast %add3A_949 : i32 to index
      %get3A_957 = arith.constant 0 : index
      %get3A_958 = tpu.vector_load %arg10[%get3A_956, %get3A_957] {strides = array<i32>} : memref<512x32xf32, #tpu.memory_space<vmem>>, vector<16xf32>,
      %get3A_959 = arith.index_cast %add3A_949 : i32 to index
      %get3A_960 = arith.constant 16 : index
      %get3A_961 = tpu.vector_load %arg10[%get3A_959, %get3A_960] {strides = array<i32>} : memref<512x32xf32, #tpu.memory_space<vmem>>, vector<16xf32>,
      %mul3A_962 = arith.mulf %get3A_952, %get3A_958 : vector<16xf32>
      %mul3A_963 = arith.mulf %get3A_955, %get3A_961 : vector<16xf32>
      %add3A_964 = arith.addf %mul3A_962, %mul3A_963 : vector<16xf32>
      %reduce_sum3A_965 = arith.constant true
      %reduce_sum3A_966 = vector.broadcast %reduce_sum3A_965 : i1 to vector<16xi1>
      %reduce_sum3A_967 = tpu.scan <sum>, %add3A_964 masked %reduce_sum3A_966 : vector<16xf32>, vector<16xi1> -> vector<16xf32>
      %reduce_sum3A_968 = vector.extract %reduce_sum3A_967[15] : f32 from vector<16xf32>
      %eq3A_969 = arith.constant 13 : i32
      %eq3A_970 = vector.broadcast %eq3A_969 : i32 to vector<16xi32>
      %eq3A_971 = arith.cmpi eq, %iota3A, %eq3A_970 : vector<16xi32>
      %broadcast_in_dim3A_972 = vector.broadcast %reduce_sum3A_968 : f32 to vector<16xf32>
      %select_n3A_973 = arith.select %eq3A_971, %broadcast_in_dim3A_972, %select_n3A_945 : vector<16xi1>, vector<16xf32>
      %mul3A_974 = arith.constant 16 : i32
      %mul3A_975 = arith.muli %scan3A_583, %mul3A_974 : i32
      %add3A_976 = arith.constant 14 : i32
      %add3A_977 = arith.addi %mul3A_975, %add3A_976 : i32
      %get3A_978 = arith.index_cast %add3A_977 : i32 to index
      %get3A_979 = arith.constant 0 : index
      %get3A_980 = tpu.vector_load %arg9[%get3A_978, %get3A_979] {strides = array<i32>} : memref<512x32xf32, #tpu.memory_space<vmem>>, vector<16xf32>,
      %get3A_981 = arith.index_cast %add3A_977 : i32 to index
      %get3A_982 = arith.constant 16 : index
      %get3A_983 = tpu.vector_load %arg9[%get3A_981, %get3A_982] {strides = array<i32>} : memref<512x32xf32, #tpu.memory_space<vmem>>, vector<16xf32>,
      %get3A_984 = arith.index_cast %add3A_977 : i32 to index
      %get3A_985 = arith.constant 0 : index
      %get3A_986 = tpu.vector_load %arg10[%get3A_984, %get3A_985] {strides = array<i32>} : memref<512x32xf32, #tpu.memory_space<vmem>>, vector<16xf32>,
      %get3A_987 = arith.index_cast %add3A_977 : i32 to index
      %get3A_988 = arith.constant 16 : index
      %get3A_989 = tpu.vector_load %arg10[%get3A_987, %get3A_988] {strides = array<i32>} : memref<512x32xf32, #tpu.memory_space<vmem>>, vector<16xf32>,
      %mul3A_990 = arith.mulf %get3A_980, %get3A_986 : vector<16xf32>
      %mul3A_991 = arith.mulf %get3A_983, %get3A_989 : vector<16xf32>
      %add3A_992 = arith.addf %mul3A_990, %mul3A_991 : vector<16xf32>
      %reduce_sum3A_993 = arith.constant true
      %reduce_sum3A_994 = vector.broadcast %reduce_sum3A_993 : i1 to vector<16xi1>
      %reduce_sum3A_995 = tpu.scan <sum>, %add3A_992 masked %reduce_sum3A_994 : vector<16xf32>, vector<16xi1> -> vector<16xf32>
      %reduce_sum3A_996 = vector.extract %reduce_sum3A_995[15] : f32 from vector<16xf32>
      %eq3A_997 = arith.constant 14 : i32
      %eq3A_998 = vector.broadcast %eq3A_997 : i32 to vector<16xi32>
      %eq3A_999 = arith.cmpi eq, %iota3A, %eq3A_998 : vector<16xi32>
      %broadcast_in_dim3A_1000 = vector.broadcast %reduce_sum3A_996 : f32 to vector<16xf32>
      %select_n3A_1001 = arith.select %eq3A_999, %broadcast_in_dim3A_1000, %select_n3A_973 : vector<16xi1>, vector<16xf32>
      %mul3A_1002 = arith.constant 16 : i32
      %mul3A_1003 = arith.muli %scan3A_583, %mul3A_1002 : i32
      %add3A_1004 = arith.constant 15 : i32
      %add3A_1005 = arith.addi %mul3A_1003, %add3A_1004 : i32
      %get3A_1006 = arith.index_cast %add3A_1005 : i32 to index
      %get3A_1007 = arith.constant 0 : index
      %get3A_1008 = tpu.vector_load %arg9[%get3A_1006, %get3A_1007] {strides = array<i32>} : memref<512x32xf32, #tpu.memory_space<vmem>>, vector<16xf32>,
      %get3A_1009 = arith.index_cast %add3A_1005 : i32 to index
      %get3A_1010 = arith.constant 16 : index
      %get3A_1011 = tpu.vector_load %arg9[%get3A_1009, %get3A_1010] {strides = array<i32>} : memref<512x32xf32, #tpu.memory_space<vmem>>, vector<16xf32>,
      %get3A_1012 = arith.index_cast %add3A_1005 : i32 to index
      %get3A_1013 = arith.constant 0 : index
      %get3A_1014 = tpu.vector_load %arg10[%get3A_1012, %get3A_1013] {strides = array<i32>} : memref<512x32xf32, #tpu.memory_space<vmem>>, vector<16xf32>,
      %get3A_1015 = arith.index_cast %add3A_1005 : i32 to index
      %get3A_1016 = arith.constant 16 : index
      %get3A_1017 = tpu.vector_load %arg10[%get3A_1015, %get3A_1016] {strides = array<i32>} : memref<512x32xf32, #tpu.memory_space<vmem>>, vector<16xf32>,
      %mul3A_1018 = arith.mulf %get3A_1008, %get3A_1014 : vector<16xf32>
      %mul3A_1019 = arith.mulf %get3A_1011, %get3A_1017 : vector<16xf32>
      %add3A_1020 = arith.addf %mul3A_1018, %mul3A_1019 : vector<16xf32>
      %reduce_sum3A_1021 = arith.constant true
      %reduce_sum3A_1022 = vector.broadcast %reduce_sum3A_1021 : i1 to vector<16xi1>
      %reduce_sum3A_1023 = tpu.scan <sum>, %add3A_1020 masked %reduce_sum3A_1022 : vector<16xf32>, vector<16xi1> -> vector<16xf32>
      %reduce_sum3A_1024 = vector.extract %reduce_sum3A_1023[15] : f32 from vector<16xf32>
      %eq3A_1025 = arith.constant 15 : i32
      %eq3A_1026 = vector.broadcast %eq3A_1025 : i32 to vector<16xi32>
      %eq3A_1027 = arith.cmpi eq, %iota3A, %eq3A_1026 : vector<16xi32>
      %broadcast_in_dim3A_1028 = vector.broadcast %reduce_sum3A_1024 : f32 to vector<16xf32>
      %select_n3A_1029 = arith.select %eq3A_1027, %broadcast_in_dim3A_1028, %select_n3A_1001 : vector<16xi1>, vector<16xf32>
      %mul3A_1030 = arith.constant 16 : i32
      %mul3A_1031 = arith.muli %scan3A_583, %mul3A_1030 : i32
      %swap3A_1032 = arith.index_cast %mul3A_1031 : i32 to index
      %swap3A_1033 = tpu.vector_load %arg11[%swap3A_1032] {strides = array<i32>} : memref<512xf32, #tpu.memory_space<vmem>>, vector<16xf32>,
      tpu.vector_store %arg11[%swap3A_1032], %select_n3A_1029 {strides = array<i32>} : memref<512xf32, #tpu.memory_space<vmem>>, vector<16xf32>,
    }
    %scan3A_582 = arith.constant 32 : i32
    "tpu.region"() ({
      %run_scoped3A = tpu.sem_alloc : memref<!tpu.dma_semaphore, #tpu.memory_space<semaphore_mem>>
      %dma_start3A_583 = tpu.memref_slice %arg5[%mul3A_2] : memref<16384xf32, #tpu.memory_space<hbm>> -> memref<512xf32, #tpu.memory_space<hbm>>
      %dma_start3A_584 = tpu.memref_slice %arg5[%mul3A_2] : memref<16384xf32, #tpu.memory_space<hbm>> -> memref<512xf32, #tpu.memory_space<hbm>>
      tpu.enqueue_dma source(%arg11 : memref<512xf32, #tpu.memory_space<vmem>>) target(%dma_start3A_584 : memref<512xf32, #tpu.memory_space<hbm>>) target_semaphore(%run_scoped3A : memref<!tpu.dma_semaphore, #tpu.memory_space<semaphore_mem>>)
      %dma_wait3A_585 = tpu.memref_slice %arg5[%mul3A_2] : memref<16384xf32, #tpu.memory_space<hbm>> -> memref<512xf32, #tpu.memory_space<hbm>>
      %dma_wait3A_586 = tpu.memref_slice %arg5[%mul3A_2] : memref<16384xf32, #tpu.memory_space<hbm>> -> memref<512xf32, #tpu.memory_space<hbm>>
      tpu.wait_dma2 semaphore(%run_scoped3A : memref<!tpu.dma_semaphore, #tpu.memory_space<semaphore_mem>>) src(%arg11 : memref<512xf32, #tpu.memory_space<vmem>>) dst(%dma_wait3A_586 : memref<512xf32, #tpu.memory_space<hbm>>)
      tpu.yield
    }) : () -> ()
    return
  }
}

</mosaic_0001>

<sc_bundles>
// kernel: kernel.3.cloned.1.call-start
scs
__scs_entry_jumppad:
0x0: {  	(pc) =	sbr.rel $0x88, $3  }
0x1: {  	(tag) =	ssettag $0x0;
	lr =	simm.s32 $0x1  }
0x2: {  	[smem:$0x3F9E] =	sst lr;
	_ =	strace $0xD0000000  }
0x3: {  	_ = 	snop  }
0x4: {  	_ = 	snop  }
0x5: {  	_ = 	snop  }
0x6: {  	_ = 	snop  }
0x7: {  	_ = 	snop  }
__scs_overlays_trampoline_lowered:
0x8: {  	[smem:$0x3FAD] =	sst s0  }
0x9: {  	[smem:$0x3FAE] =	sst s1  }
0xa: {  	[smem:$0x3FAF] =	sst s2  }
0xb: {  	[smem:$0x3FB0] =	sst s3  }
0xc: {  	[smem:$0x3FB1] =	sst s4  }
0xd: {  	[smem:$0x3FB2] =	sst s5  }
0xe: {  	[smem:$0x3FB3] =	sst s6  }
0xf: {  	[smem:$0x3FB4] =	sst s7  }
0x10: {  	[smem:$0x3FB5] =	sst s8  }
0x11: {  	[smem:$0x3FB6] =	sst s9;
	s0 =	simm.s32 @!p0 $0x0  }
0x12: {  	s1 =	sld [smem:$0x3F9C];
	s0 =	simm.s32 @p0 $0x1  }
0x13: {  	[smem:$0x3FB7] =	sst s0;
	s0 =	simm.s32 @!p1 $0x0  }
0x14: {  	s2 =	sld [smem:$0x3F9B];
	s0 =	simm.s32 @p1 $0x1  }
0x15: {  	[smem:$0x3FB8] =	sst s0;
	s0 =	simm.s32 @!p2 $0x0  }
0x16: {  	s3 =	sld [smem:$0x3FDB];
	s0 =	simm.s32 @p2 $0x1  }
0x17: {  	s4 =	simm.s32 $0x1BF5;
	[smem:$0x3FBA] =	sst s0  }
0x18: {  	s0 =	sld [smem:$0x3F9D];
	_ =	swait.ge [sflag:s4], $0x0  }
0x19: {  	s7 =	sld [smem:$0x3F9E]  }
0x1a: {  	s8 =	sadd.s32 $0xFFFFE003, lr  }
0x1b: {  	s9 =	sadd.s32 $0xFFFFFEF7, lr;
	s5 =	simm.s32 $0xFFFFFFFF;
	p2 =	slt.u32 s8, $0xFFFFF086  }
0x1c: {  	p1 =	slt.u32 s9, $0xF7A;
	s5 =	simm.s32 @!p2 $0x0  }
0x1d: {  	s5 =	simm.s32 @p1 $0x1;
	p0 =	seq.s32 s7, s2  }
0x1e: {  	s7 =	smul.u32 @!p0 $0xF7A, s2;
	p2 =	seq.s32 @!p0 s5, $0x0  }
0x1f: {  	s9 =	smul.u32 $0xF7A, s1;
	s8 =	simm.s32 @!p0 $0x1BF5;
	p2 =	por !p2, p0  }
0x20: {  	[sflag:s8] =	ssyncset.s32 @!p0 $0xFFFFF086;
	s6 =	sadd.s32 @!p0 s3, s7;
	s7 =	simm.s32 @!p0 $0x108  }
0x21: {  	s3 =	sadd.s32 s3, s9;
	s6 =	sadd.s32 @!p0 $0x88, s6;
	s7 =	simm.s32 @p2 $0x1082  }
0x22: {  	[simem:s7], [sflag:s8] =	dma.local @!p0 [hbm:s6], $0xF7A  }
0x23: {  	s9 =	sor.u32 $0xD0000000, s2;
	s6 =	simm.s32 $0x108;
	_ =	swait.ge @!p0 [sflag:s8], $0x0  }
0x24: {  	s3 =	sadd.s32 $0x88, s3;
	s6 =	simm.s32 @!p1 $0x1082;
	[sflag:s4] =	ssyncset.s32 $0xFFFFF086  }
0x25: {  	[simem:s6], [sflag:s4] =	dma.local [hbm:s3], $0xF7A  }
0x26: {  	[smem:$0x3F9E] =	sst s1;
	(tag) =	ssettag s2;
	_ =	strace s9  }
0x27: {  	s1 =	sld [smem:$0x3FAE]  }
0x28: {  	s2 =	sld [smem:$0x3FAF]  }
0x29: {  	s4 =	sld [smem:$0x3FB1]  }
0x2a: {  	p0 =	seq.s32 s5, $0x0;
	s5 =	sld [smem:$0x3FB2]  }
0x2b: {  	s6 =	sld [smem:$0x3FB3]  }
0x2c: {  	s7 =	sld [smem:$0x3FB4]  }
0x2d: {  	s3 =	simm.s32 $0x108;
	s8 =	sld [smem:$0x3FB5]  }
0x2e: {  	s3 =	simm.s32 @!p0 $0x1082;
	s9 =	sld [smem:$0x3FB6]  }
0x2f: {  	lr =	sadd.s32 s0, s3;
	s0 =	sld [smem:$0x3FAD]  }
0x30: {  	s3 =	sld [smem:$0x3FB0]  }
0x31: {  	[smem:$0x3FB9] =	sst s10  }
0x32: {  	s10 =	sld [smem:$0x3FB7];
	_ =	sdelay $0x3  }
0x33: {  	p0 =	seq.s32 s10, $0x1;
	s10 =	sld [smem:$0x3FB9];
	_ =	sdelay $0x3  }
0x34: {  	[smem:$0x3FB9] =	sst s10  }
0x35: {  	s10 =	sld [smem:$0x3FB8];
	_ =	sdelay $0x3  }
0x36: {  	p1 =	seq.s32 s10, $0x1;
	s10 =	sld [smem:$0x3FB9];
	_ =	sdelay $0x3  }
0x37: {  	[smem:$0x3FB9] =	sst s10  }
0x38: {  	s10 =	sld [smem:$0x3FBA]  }
0x39: {  	_ = 	snop;
	(pc) =	sbr.ind lr, $3  }
0x3a: {  	_ = 	snop  }
0x3b: {  	_ = 	snop  }
0x3c: {  	p2 =	seq.s32 s10, $0x1;
	s10 =	sld [smem:$0x3FB9]  }
0x3d: {  	_ =	shalt  }
0x3e: {  	_ =	shalt  }
0x3f: {  	_ =	shalt  }
0x40: {  	_ =	shalt  }
0x41: {  	_ =	shalt  }
0x42: {  	_ =	shalt  }
0x43: {  	_ =	shalt  }
0x44: {  	_ =	shalt  }
0x45: {  	_ =	shalt  }
0x46: {  	_ =	shalt  }
0x47: {  	_ =	shalt  }
0x48: {  	_ =	shalt  }
0x49: {  	_ =	shalt  }
0x4a: {  	_ =	shalt  }
0x4b: {  	_ =	shalt  }
0x4c: {  	_ =	shalt  }
0x4d: {  	_ =	shalt  }
0x4e: {  	_ =	shalt  }
0x4f: {  	_ =	shalt  }
0x50: {  	_ =	shalt  }
0x51: {  	_ =	shalt  }
0x52: {  	_ =	shalt  }
0x53: {  	_ =	shalt  }
0x54: {  	_ =	shalt  }
0x55: {  	_ =	shalt  }
0x56: {  	_ =	shalt  }
0x57: {  	_ =	shalt  }
0x58: {  	_ =	shalt  }
0x59: {  	_ =	shalt  }
0x5a: {  	_ =	shalt  }
0x5b: {  	_ =	shalt  }
0x5c: {  	_ =	shalt  }
0x5d: {  	_ =	shalt  }
0x5e: {  	_ =	shalt  }
0x5f: {  	_ =	shalt  }
0x60: {  	_ =	shalt  }
0x61: {  	_ =	shalt  }
0x62: {  	_ =	shalt  }
0x63: {  	_ =	shalt  }
0x64: {  	_ =	shalt  }
0x65: {  	_ =	shalt  }
0x66: {  	_ =	shalt  }
0x67: {  	_ =	shalt  }
0x68: {  	_ =	shalt  }
0x69: {  	_ =	shalt  }
0x6a: {  	_ =	shalt  }
0x6b: {  	_ =	shalt  }
0x6c: {  	_ =	shalt  }
0x6d: {  	_ =	shalt  }
0x6e: {  	_ =	shalt  }
0x6f: {  	_ =	shalt  }
0x70: {  	_ =	shalt  }
0x71: {  	_ =	shalt  }
0x72: {  	_ =	shalt  }
0x73: {  	_ =	shalt  }
0x74: {  	_ =	shalt  }
0x75: {  	_ =	shalt  }
0x76: {  	_ =	shalt  }
0x77: {  	_ =	shalt  }
0x78: {  	_ =	shalt  }
0x79: {  	_ =	shalt  }
0x7a: {  	_ =	shalt  }
0x7b: {  	_ =	shalt  }
0x7c: {  	_ =	shalt  }
0x7d: {  	_ =	shalt  }
0x7e: {  	_ =	shalt  }
0x7f: {  	_ =	shalt  }
0x80: {  	_ =	shalt  }
0x81: {  	_ =	shalt  }
0x82: {  	_ =	shalt  }
0x83: {  	_ =	shalt  }
0x84: {  	_ =	shalt  }
0x85: {  	_ =	shalt  }
0x86: {  	_ =	shalt  }
0x87: {  	_ =	shalt  }
.Lfunc_end0:
.L_simem_size_0:
called_computation_lowered:
.L_overlay_start_0:
0x88: {  	s2 =	sld [smem:$0x3FD9]  }
0x89: {  	s3 =	sld [smem:$0x3FFE];
	_ =	sdelay $0x1  }
0x8a: {  	s1 =	srdreg.scid  }
0x8b: {  	s0 =	sand.u32 $0x1, s1  }
0x8c: {  	s17 =	sshll.u32 s0, $0xA;
	s2 =	sadd.s32 s3, s2  }
0x8d: {  	s2 =	sadd.s32 s2, s17  }
0x8e: {  	[smem:$0x3FC5] =	sst s2  }
0x8f: {  	_ = 	snop  }
0x90: {  	s2 =	sld [smem:$0x3FD0];
	(tm) =	ssettm $0x1  }
0x91: {  	s18 =	sld [smem:$0x3FFB];
	_ =	sdelay $0x3  }
0x92: {  	_ =	strace s18  }
0x93: {  	s3 =	sld [smem:$0x3FFC];
	_ =	sdelay $0x3  }
0x94: {  	_ =	strace s3  }
0x95: {  	s3 =	sld [smem:$0x3FFD];
	_ =	sdelay $0x3  }
0x96: {  	_ =	strace s3  }
0x97: {  	_ =	strace $0x8FFFFFFF  }
0x98: {  	s19 =	sld [smem:$0x3FDB];
	_ =	sdelay $0x1  }
0x99: {  	s4 =	simm.s32 $_scs_section_size  }
0x9a: {  	s5 =	simm.s32 $_size__tile_overlayer_lowered;
	s6 =	simm.s32 $_tile_overlayer_lowered  }
0x9b: {  	s22 =	simm.s32 $0x1BFF;
	s21 =	sshll.u32 s6, $0x1;
	s3 =	sadd.s32 s4, s19  }
0x9c: {  	s7 =	simm.s32 $0x0;
	s20 =	sshll.u32 s5, $0x1;
	s5 =	sadd.s32 s21, s3  }
0x9d: {  	[timem:s7], [sflag:s22] =	dma.local [hbm:s5], s20  }
0x9e: {  	_ =	swait.ge [sflag:s22], s20  }
0x9f: {  	s4 =	ssub.s32 $0x0, s20;
	[sflag:s22] =	ssyncset.done $0x0  }
0xa0: {  	[sflag:s22] =	ssyncadd.s32 s4;
	_ =	sdelay $0x1  }
0xa1: {  	s23 =	simm.s32 $0x1B8B  }
0xa2: {  	_ =	swait.ge [sflag:s23], $0x1  }
0xa3: {  	[sflag:s23] =	ssyncset.done $0x0  }
0xa4: {  	s25 =	simm.s32 $0x1B8E;
	s24 =	sld [smem:$0x3FFE];
	[sflag:s23] =	ssyncadd.s32 $0xFFFFFFFF  }
0xa5: {  	s26 =	simm.s32 $execute0_lowered;
	[smem:$0x3FD2] =	sst s25  }
0xa6: {  	s5 =	sshll.u32 s26, $0x1;
	_ =	strace $0x80000046;
	[dreg:$0x1] =	wrdreg $0xFFFFFFFF  }
0xa7: {  	s28 =	simm.s32 $_size_execute0_lowered;
	s3 =	sadd.s32 s3, s5;
	[dreg:$0x0] =	wrdreg $0x0  }
0xa8: {  	s5 =	sshll.u32 s28, $0x1;
	[dreg:$0x2] =	wrdreg s3  }
0xa9: {  	[dreg:$0x3] =	wrdreg s5  }
0xaa: {  	[dreg:$0x4] =	wrdreg $0xC0  }
0xab: {  	_ =	task [dreg:s7], $0x5FFFF  }
0xac: {  	[dreg:$0x1] =	wrdreg $0xFFFFFFFF  }
0xad: {  	[dreg:$0x0] =	wrdreg $0x60  }
0xae: {  	[dreg:$0x2] =	wrdreg s24  }
0xaf: {  	[dreg:$0x3] =	wrdreg s2  }
0xb0: {  	[dreg:$0x4] =	wrdreg $0x9  }
0xb1: {  	_ =	task.clear_ibuf [dreg:s7], $0x5FFFF;
	_ =	strace $0x90000046  }
0xb2: {  	s29 =	simm.s32 $0x9;
	_ =	strace $0x80000048  }
0xb3: {  	_ =	swait.ge [sflag:s29], $0x1  }
0xb4: {  	[sflag:s29] =	ssyncadd.s32 $0xFFFFFFFF  }
0xb5: {  	_ =	strace $0x90000048  }
0xb6: {  	_ =	sfence  }
0xb7: {  	s30 =	sld [smem:$0x0];
	_ =	sdelay $0x2  }
0xb8: {  	s31 =	sshll.u32 s1, $0xD;
	s1 =	sshrl.u32 s1, $0x2  }
0xb9: {  	s3 =	sand.u32 $0x4000, s31;
	s1 =	sadd.s32 s1, s30  }
0xba: {  	s0 =	sor.u32 s3, s0;
	s1 =	sshll.u32 s1, $0x11  }
0xbb: {  	s0 =	sor.u32 s1, s0  }
0xbc: {  	s0 =	sadd.s32 $0x8F2B, s0  }
0xbd: {  	[sflag:s0] =	ssyncadd.remote.s32 $0x1  }
0xbe: {  	_ =	sfence.sel $0xFFFF  }
0xbf: {  	[dreg:$0x0] =	wrdreg $0xFFFFFFFF;
	(pc) =	sbr.abs _section_cstart, $3  }
0xc0: {  	[dreg:$0x1] =	wrdreg $0xFFFFFFFF  }
0xc1: {  	_ =	task.clear_ibuf [dreg:s7], $0x2FFFF;
	_ =	strace $0x9FFFFFFF  }
0xc2: {  	(tm) =	ssettm $0x7FFFFFFF  }
0xc3: {  	_ =	shalt  }
tec
execute0_lowered:
.L_overlay_start_1:
0x0: {  	(tag) =	ssettag $0x1  }
0x1: {  	v0 =	vlaneseq.u32  }
0x2: {  	v0 =	vmul.u32 $0x8, v0;
	_ =	sdelay $0x1  }
0x3: {  	v1 =	vor.u32 $0x1, v0  }
0x4: {  	[tilespmem:$0x1FD60] =	vst v1;
	v1 =	vor.u32 $0x80, v0  }
0x5: {  	[tilespmem:$0x1FD70] =	vst v1;
	v1 =	vor.u32 $0x81, v0  }
0x6: {  	[tilespmem:$0x1FD80] =	vst v1;
	v1 =	vor.u32 $0x100, v0  }
0x7: {  	[tilespmem:$0x1FD90] =	vst v1;
	v1 =	vor.u32 $0x101, v0  }
0x8: {  	[tilespmem:$0x1FDA0] =	vst v1;
	v1 =	vor.u32 $0x180, v0  }
0x9: {  	[tilespmem:$0x1FDB0] =	vst v1;
	v1 =	vor.u32 $0x181, v0  }
0xa: {  	[tilespmem:$0x1FDC0] =	vst v1;
	v1 =	vor.u32 $0x200, v0  }
0xb: {  	[tilespmem:$0x1FDD0] =	vst v1;
	v1 =	vor.u32 $0x201, v0  }
0xc: {  	[tilespmem:$0x1FDE0] =	vst v1;
	v1 =	vor.u32 $0x280, v0  }
0xd: {  	[tilespmem:$0x1FDF0] =	vst v1;
	v1 =	vor.u32 $0x281, v0  }
0xe: {  	[tilespmem:$0x1FE00] =	vst v1;
	v1 =	vor.u32 $0x300, v0  }
0xf: {  	[tilespmem:$0x1FE10] =	vst v1;
	v1 =	vor.u32 $0x301, v0  }
0x10: {  	[tilespmem:$0x1FE20] =	vst v1;
	v1 =	vor.u32 $0x380, v0  }
0x11: {  	[tilespmem:$0x1FE30] =	vst v1;
	v1 =	vor.u32 $0x381, v0  }
0x12: {  	[tilespmem:$0x1FE40] =	vst v1;
	v1 =	vor.u32 $0x400, v0  }
0x13: {  	[tilespmem:$0x1FE50] =	vst v1;
	v1 =	vor.u32 $0x401, v0  }
0x14: {  	[tilespmem:$0x1FE60] =	vst v1;
	v1 =	vor.u32 $0x480, v0  }
0x15: {  	[tilespmem:$0x1FE70] =	vst v1;
	v1 =	vor.u32 $0x481, v0  }
0x16: {  	[tilespmem:$0x1FE80] =	vst v1;
	v1 =	vor.u32 $0x500, v0  }
0x17: {  	[tilespmem:$0x1FE90] =	vst v1;
	v1 =	vor.u32 $0x501, v0  }
0x18: {  	[tilespmem:$0x1FEA0] =	vst v1;
	v1 =	vor.u32 $0x580, v0  }
0x19: {  	[tilespmem:$0x1FEB0] =	vst v1;
	v1 =	vor.u32 $0x581, v0  }
0x1a: {  	[tilespmem:$0x1FEC0] =	vst v1;
	v1 =	vor.u32 $0x600, v0  }
0x1b: {  	[tilespmem:$0x1FED0] =	vst v1;
	v1 =	vor.u32 $0x601, v0  }
0x1c: {  	[tilespmem:$0x1FEE0] =	vst v1;
	v1 =	vor.u32 $0x680, v0  }
0x1d: {  	[tilespmem:$0x1FEF0] =	vst v1;
	v1 =	vor.u32 $0x681, v0  }
0x1e: {  	vm0 =	vmmov $0x1;
	vm1 =	vmmov $0x3;
	[tilespmem:$0x1FF00] =	vst v1;
	v1 =	vor.u32 $0x700, v0  }
0x1f: {  	vm2 =	vmmov $0x7;
	vm3 =	vmmov $0xf;
	[tilespmem:$0x1FF10] =	vst v1;
	v1 =	vor.u32 $0x701, v0  }
0x20: {  	s0 =	rddreg [dreg:$0x0];
	vm4 =	vmmov $0x1f;
	vm5 =	vmmov $0x3f;
	[tilespmem:$0x1FF20] =	vst v1;
	v1 =	vor.u32 $0x780, v0  }
0x21: {  	s6 =	rddreg [dreg:$0x1];
	s3 =	srdreg.scid;
	vm6 =	vmmov $0x7f;
	vm7 =	vmmov $0xff;
	[tilespmem:$0x1FF30] =	vst v1;
	v1 =	vor.u32 $0x781, v0  }
0x22: {  	s10 =	simm.s32 $0x1000;
	s11 =	simm.s32 $0x1400;
	s12 =	simm.s32 $0x1200;
	vm8 =	vmmov $0x1ff;
	vm9 =	vmmov $0x3ff;
	[tilespmem:$0x1FF40] =	vst v1;
	v1 =	vor.u32 $0x800, v0  }
0x23: {  	s13 =	simm.s32 $0x5400;
	s14 =	simm.s32 $0x1080;
	s15 =	simm.s32 $0x2400;
	vm10 =	vmmov $0x7ff;
	vm11 =	vmmov $0xfff;
	[tilespmem:$0x1FF50] =	vst v1;
	v1 =	vor.u32 $0x801, v0  }
0x24: {  	s16 =	simm.s32 $0x1280;
	s17 =	simm.s32 $0x6400;
	s18 =	simm.s32 $0x1100;
	vm12 =	vmmov $0x1fff;
	vm13 =	vmmov $0x3fff;
	[tilespmem:$0x1FF60] =	vst v1;
	v1 =	vor.u32 $0x880, v0  }
0x25: {  	s19 =	simm.s32 $0x3400;
	s20 =	simm.s32 $0x1300;
	s21 =	simm.s32 $0x7400;
	vm14 =	vmmov $0x7fff;
	v43 =	vor.u32 $0xA81, v0;
	[tilespmem:$0x1FF70] =	vst v1;
	v1 =	vor.u32 $0x881, v0  }
0x26: {  	s2 =	simm.s32 $0x0;
	s22 =	simm.s32 $0x1180;
	s23 =	simm.s32 $0x4400;
	v44 =	vor.u32 $0xB00, v0;
	v45 =	vor.u32 $0xB01, v0;
	[tilespmem:$0x1FF80] =	vst v1;
	v1 =	vor.u32 $0x900, v0  }
0x27: {  	s1 =	stileid.u32;
	s24 =	simm.s32 $0x1380;
	s25 =	simm.s32 $0x8400;
	v46 =	vor.u32 $0xB80, v0;
	v47 =	vor.u32 $0xB81, v0;
	[tilespmem:$0x1FF90] =	vst v1;
	v1 =	vor.u32 $0x901, v0  }
0x28: {  	s28 =	simm.s32 $0x9400;
	s3 =	sand.u32 $0x1, s3;
	[smem:$0x7FF] =	sst s2;
	v48 =	vor.u32 $0xC00, v0;
	v49 =	vor.u32 $0xC01, v0;
	[tilespmem:$0x1FFA0] =	vst v1;
	v1 =	vor.u32 $0x980, v0  }
0x29: {  	s26 =	simm.s32 $0x1;
	s4 =	sshll.u32 s1, $0xA;
	s5 =	sshll.u32 s3, $0x9;
	v50 =	vor.u32 $0xC80, v0;
	v51 =	vor.u32 $0xC81, v0;
	[tilespmem:$0x1FFB0] =	vst v1;
	v1 =	vor.u32 $0x981, v0  }
0x2a: {  	s29 =	simm.s32 $0x0;
	s7 =	ssub.s32 $0x2, s3;
	s3 =	sadd.s32 $0x1313400, s0;
	v52 =	vor.u32 $0xD00, v0;
	v53 =	vor.u32 $0xD01, v0;
	[tilespmem:$0x1FFC0] =	vst v1;
	v1 =	vor.u32 $0xA00, v0  }
0x2b: {  	s5 =	sor.u32 s5, s4;
	s9 =	sshrl.u32 s7, $0x1;
	s4 =	sadd.s32 $0xF42A00, s0;
	v54 =	vor.u32 $0xD80, v0;
	v55 =	vor.u32 $0xD81, v0;
	[tilespmem:$0x1FFD0] =	vst v1;
	v1 =	vor.u32 $0xA01, v0  }
0x2c: {  	v56 =	vor.u32 $0xE00, v0;
	v57 =	vor.u32 $0xE01, v0;
	s8 =	sadd.s32 s5, s0;
	s30 =	ssub.s32 s7, s9;
	s31 =	sshrl.u32 s5, $0x3;
	[tilespmem:$0x1FFE0] =	vst v1;
	v1 =	vor.u32 $0xA80, v0  }
0x2d: {  	v58 =	vor.u32 $0xE80, v0;
	v59 =	vor.u32 $0xE81, v0;
	v60 =	vor.u32 $0xF00, v0;
	s9 =	simm.s32 $0x80;
	s5 =	sadd.s32 $0x600, s8;
	s6 =	sadd.s32 s6, s31;
	[tilespmem:$0x1FFF0] =	vst v1  }
0x2e: {  	v61 =	vor.u32 $0xF01, v0;
	v62 =	vor.u32 $0xF80, v0;
	v63 =	vor.u32 $0xF81, v0;
	s7 =	smax.u32 s30, $0x1;
	s8 =	simm.s32 $0x2;
	_ =	strace $0x80000047  }
.LBB2_1:
0x2f: {  	[tilespmem:s2], [sflag:$0x2] =	stream.linear.gather [hbm4b:s5+s2], $0x1000, $0x38;
	[tilespmem:$0x9600] =	vst v63  }
0x30: {  	_ =	swait.ge [sflag:s8], $0x1000  }
0x31: {  	v2 =	vld [tilespmem:$0x1FD60];
	_ =	sdelay $0x1  }
0x32: {  	[sflag:s8] =	ssyncset.done $0x0  }
0x33: {  	[sflag:s8] =	ssyncadd.s32 $0xFFFFF000  }
0x34: {  	v1 =	vld.idx.msk [tilespmem:v0+s2+$0x0], $0xffff;
	_ =	sdelay $0x3  }
0x35: {  	v2 =	vld.idx.msk [tilespmem:v2+s2+$0x0], $0xffff  }
0x36: {  	[tilespmem:$0x1000] =	vst v1;
	v1 =	vld [tilespmem:$0x1FD70];
	_ =	sdelay $0x3  }
0x37: {  	[tilespmem:$0x1200] =	vst v2;
	v2 =	vld [tilespmem:$0x1FD80];
	_ =	sdelay $0x3  }
0x38: {  	v1 =	vld.idx.msk [tilespmem:v1+s2+$0x0], $0xffff;
	_ =	sdelay $0x3  }
0x39: {  	v2 =	vld.idx.msk [tilespmem:v2+s2+$0x0], $0xffff  }
0x3a: {  	[tilespmem:$0x1010] =	vst v1;
	v1 =	vld [tilespmem:$0x1FD90];
	_ =	sdelay $0x3  }
0x3b: {  	[tilespmem:$0x1210] =	vst v2;
	v2 =	vld [tilespmem:$0x1FDA0];
	_ =	sdelay $0x3  }
0x3c: {  	v1 =	vld.idx.msk [tilespmem:v1+s2+$0x0], $0xffff;
	_ =	sdelay $0x3  }
0x3d: {  	v2 =	vld.idx.msk [tilespmem:v2+s2+$0x0], $0xffff  }
0x3e: {  	[tilespmem:$0x1020] =	vst v1;
	v1 =	vld [tilespmem:$0x1FDB0];
	_ =	sdelay $0x3  }
0x3f: {  	[tilespmem:$0x1220] =	vst v2;
	v2 =	vld [tilespmem:$0x1FDC0];
	_ =	sdelay $0x3  }
0x40: {  	v1 =	vld.idx.msk [tilespmem:v1+s2+$0x0], $0xffff;
	_ =	sdelay $0x3  }
0x41: {  	v2 =	vld.idx.msk [tilespmem:v2+s2+$0x0], $0xffff  }
0x42: {  	[tilespmem:$0x1030] =	vst v1;
	v1 =	vld [tilespmem:$0x1FDD0];
	_ =	sdelay $0x3  }
0x43: {  	[tilespmem:$0x1230] =	vst v2;
	v2 =	vld [tilespmem:$0x1FDE0];
	_ =	sdelay $0x3  }
0x44: {  	v1 =	vld.idx.msk [tilespmem:v1+s2+$0x0], $0xffff;
	_ =	sdelay $0x3  }
0x45: {  	v2 =	vld.idx.msk [tilespmem:v2+s2+$0x0], $0xffff  }
0x46: {  	[tilespmem:$0x1040] =	vst v1;
	v1 =	vld [tilespmem:$0x1FDF0];
	_ =	sdelay $0x3  }
0x47: {  	[tilespmem:$0x1240] =	vst v2;
	v2 =	vld [tilespmem:$0x1FE00];
	_ =	sdelay $0x3  }
0x48: {  	v1 =	vld.idx.msk [tilespmem:v1+s2+$0x0], $0xffff;
	_ =	sdelay $0x3  }
0x49: {  	v2 =	vld.idx.msk [tilespmem:v2+s2+$0x0], $0xffff  }
0x4a: {  	[tilespmem:$0x1050] =	vst v1;
	v1 =	vld [tilespmem:$0x1FE10];
	_ =	sdelay $0x3  }
0x4b: {  	[tilespmem:$0x1250] =	vst v2;
	v2 =	vld [tilespmem:$0x1FE20];
	_ =	sdelay $0x3  }
0x4c: {  	v1 =	vld.idx.msk [tilespmem:v1+s2+$0x0], $0xffff;
	_ =	sdelay $0x3  }
0x4d: {  	v2 =	vld.idx.msk [tilespmem:v2+s2+$0x0], $0xffff  }
0x4e: {  	[tilespmem:$0x1060] =	vst v1;
	v1 =	vld [tilespmem:$0x1FE30];
	_ =	sdelay $0x3  }
0x4f: {  	[tilespmem:$0x1260] =	vst v2;
	v2 =	vld [tilespmem:$0x1FE40];
	_ =	sdelay $0x3  }
0x50: {  	v1 =	vld.idx.msk [tilespmem:v1+s2+$0x0], $0xffff;
	_ =	sdelay $0x3  }
0x51: {  	v2 =	vld.idx.msk [tilespmem:v2+s2+$0x0], $0xffff  }
0x52: {  	[tilespmem:$0x1070] =	vst v1;
	v1 =	vld [tilespmem:$0x1FE50];
	_ =	sdelay $0x3  }
0x53: {  	[tilespmem:$0x1270] =	vst v2;
	v2 =	vld [tilespmem:$0x1FE60];
	_ =	sdelay $0x3  }
0x54: {  	v1 =	vld.idx.msk [tilespmem:v1+s2+$0x0], $0xffff;
	_ =	sdelay $0x3  }
0x55: {  	v2 =	vld.idx.msk [tilespmem:v2+s2+$0x0], $0xffff  }
0x56: {  	[tilespmem:$0x1080] =	vst v1;
	v1 =	vld [tilespmem:$0x1FE70];
	_ =	sdelay $0x3  }
0x57: {  	[tilespmem:$0x1280] =	vst v2;
	v2 =	vld [tilespmem:$0x1FE80];
	_ =	sdelay $0x3  }
0x58: {  	v1 =	vld.idx.msk [tilespmem:v1+s2+$0x0], $0xffff;
	_ =	sdelay $0x3  }
0x59: {  	v2 =	vld.idx.msk [tilespmem:v2+s2+$0x0], $0xffff  }
0x5a: {  	[tilespmem:$0x1090] =	vst v1;
	v1 =	vld [tilespmem:$0x1FE90];
	_ =	sdelay $0x3  }
0x5b: {  	[tilespmem:$0x1290] =	vst v2;
	v2 =	vld [tilespmem:$0x1FEA0];
	_ =	sdelay $0x3  }
0x5c: {  	v1 =	vld.idx.msk [tilespmem:v1+s2+$0x0], $0xffff;
	_ =	sdelay $0x3  }
0x5d: {  	v2 =	vld.idx.msk [tilespmem:v2+s2+$0x0], $0xffff  }
0x5e: {  	[tilespmem:$0x10A0] =	vst v1;
	v1 =	vld [tilespmem:$0x1FEB0];
	_ =	sdelay $0x3  }
0x5f: {  	[tilespmem:$0x12A0] =	vst v2;
	v2 =	vld [tilespmem:$0x1FEC0];
	_ =	sdelay $0x3  }
0x60: {  	v1 =	vld.idx.msk [tilespmem:v1+s2+$0x0], $0xffff;
	_ =	sdelay $0x3  }
0x61: {  	v2 =	vld.idx.msk [tilespmem:v2+s2+$0x0], $0xffff  }
0x62: {  	[tilespmem:$0x10B0] =	vst v1;
	v1 =	vld [tilespmem:$0x1FED0];
	_ =	sdelay $0x3  }
0x63: {  	[tilespmem:$0x12B0] =	vst v2;
	v2 =	vld [tilespmem:$0x1FEE0];
	_ =	sdelay $0x3  }
0x64: {  	v1 =	vld.idx.msk [tilespmem:v1+s2+$0x0], $0xffff;
	_ =	sdelay $0x3  }
0x65: {  	v2 =	vld.idx.msk [tilespmem:v2+s2+$0x0], $0xffff  }
0x66: {  	[tilespmem:$0x10C0] =	vst v1;
	v1 =	vld [tilespmem:$0x1FEF0];
	_ =	sdelay $0x3  }
0x67: {  	[tilespmem:$0x12C0] =	vst v2;
	v2 =	vld [tilespmem:$0x1FF00];
	_ =	sdelay $0x3  }
0x68: {  	v1 =	vld.idx.msk [tilespmem:v1+s2+$0x0], $0xffff;
	_ =	sdelay $0x3  }
0x69: {  	v2 =	vld.idx.msk [tilespmem:v2+s2+$0x0], $0xffff  }
0x6a: {  	[tilespmem:$0x10D0] =	vst v1;
	v1 =	vld [tilespmem:$0x1FF10];
	_ =	sdelay $0x3  }
0x6b: {  	[tilespmem:$0x12D0] =	vst v2;
	v2 =	vld [tilespmem:$0x1FF20];
	_ =	sdelay $0x3  }
0x6c: {  	v1 =	vld.idx.msk [tilespmem:v1+s2+$0x0], $0xffff;
	_ =	sdelay $0x3  }
0x6d: {  	v2 =	vld.idx.msk [tilespmem:v2+s2+$0x0], $0xffff  }
0x6e: {  	[tilespmem:$0x10E0] =	vst v1;
	v1 =	vld [tilespmem:$0x1FF30];
	_ =	sdelay $0x3  }
0x6f: {  	[tilespmem:$0x12E0] =	vst v2;
	v2 =	vld [tilespmem:$0x1FF40];
	_ =	sdelay $0x3  }
0x70: {  	v1 =	vld.idx.msk [tilespmem:v1+s2+$0x0], $0xffff;
	_ =	sdelay $0x3  }
0x71: {  	v2 =	vld.idx.msk [tilespmem:v2+s2+$0x0], $0xffff  }
0x72: {  	[tilespmem:$0x10F0] =	vst v1;
	v1 =	vld [tilespmem:$0x1FF50];
	_ =	sdelay $0x3  }
0x73: {  	[tilespmem:$0x12F0] =	vst v2;
	v2 =	vld [tilespmem:$0x1FF60];
	_ =	sdelay $0x3  }
0x74: {  	v1 =	vld.idx.msk [tilespmem:v1+s2+$0x0], $0xffff;
	_ =	sdelay $0x3  }
0x75: {  	v2 =	vld.idx.msk [tilespmem:v2+s2+$0x0], $0xffff  }
0x76: {  	[tilespmem:$0x1100] =	vst v1;
	v1 =	vld [tilespmem:$0x1FF70];
	_ =	sdelay $0x3  }
0x77: {  	[tilespmem:$0x1300] =	vst v2;
	v2 =	vld [tilespmem:$0x1FF80];
	_ =	sdelay $0x3  }
0x78: {  	v1 =	vld.idx.msk [tilespmem:v1+s2+$0x0], $0xffff;
	_ =	sdelay $0x3  }
0x79: {  	v2 =	vld.idx.msk [tilespmem:v2+s2+$0x0], $0xffff  }
0x7a: {  	[tilespmem:$0x1110] =	vst v1;
	v1 =	vld [tilespmem:$0x1FF90];
	_ =	sdelay $0x3  }
0x7b: {  	[tilespmem:$0x1310] =	vst v2;
	v2 =	vld [tilespmem:$0x1FFA0];
	_ =	sdelay $0x3  }
0x7c: {  	v1 =	vld.idx.msk [tilespmem:v1+s2+$0x0], $0xffff;
	_ =	sdelay $0x3  }
0x7d: {  	v2 =	vld.idx.msk [tilespmem:v2+s2+$0x0], $0xffff  }
0x7e: {  	[tilespmem:$0x1120] =	vst v1;
	v1 =	vld [tilespmem:$0x1FFB0];
	_ =	sdelay $0x3  }
0x7f: {  	[tilespmem:$0x1320] =	vst v2;
	v2 =	vld [tilespmem:$0x1FFC0];
	_ =	sdelay $0x3  }
0x80: {  	v1 =	vld.idx.msk [tilespmem:v1+s2+$0x0], $0xffff;
	_ =	sdelay $0x3  }
0x81: {  	v2 =	vld.idx.msk [tilespmem:v2+s2+$0x0], $0xffff  }
0x82: {  	[tilespmem:$0x1130] =	vst v1;
	v1 =	vld [tilespmem:$0x1FFD0];
	_ =	sdelay $0x3  }
0x83: {  	[tilespmem:$0x1330] =	vst v2;
	v2 =	vld [tilespmem:$0x1FFE0];
	_ =	sdelay $0x3  }
0x84: {  	v1 =	vld.idx.msk [tilespmem:v1+s2+$0x0], $0xffff;
	_ =	sdelay $0x3  }
0x85: {  	v2 =	vld.idx.msk [tilespmem:v2+s2+$0x0], $0xffff  }
0x86: {  	[tilespmem:$0x1140] =	vst v1;
	v1 =	vld [tilespmem:$0x1FFF0];
	_ =	sdelay $0x5  }
0x87: {  	[tilespmem:$0x1340] =	vst v2  }
0x88: {  	v2 =	vld.idx.msk [tilespmem:v43+s2+$0x0], $0xffff  }
0x89: {  	v1 =	vld.idx.msk [tilespmem:v1+s2+$0x0], $0xffff;
	_ =	sdelay $0x3  }
0x8a: {  	[tilespmem:$0x1350] =	vst v2  }
0x8b: {  	[tilespmem:$0x1150] =	vst v1  }
0x8c: {  	v1 =	vld.idx.msk [tilespmem:v44+s2+$0x0], $0xffff  }
0x8d: {  	v2 =	vld.idx.msk [tilespmem:v45+s2+$0x0], $0xffff;
	_ =	sdelay $0x3  }
0x8e: {  	[tilespmem:$0x1160] =	vst v1  }
0x8f: {  	[tilespmem:$0x1360] =	vst v2  }
0x90: {  	v1 =	vld.idx.msk [tilespmem:v46+s2+$0x0], $0xffff  }
0x91: {  	v2 =	vld.idx.msk [tilespmem:v47+s2+$0x0], $0xffff;
	_ =	sdelay $0x3  }
0x92: {  	[tilespmem:$0x1170] =	vst v1  }
0x93: {  	[tilespmem:$0x1370] =	vst v2  }
0x94: {  	v1 =	vld.idx.msk [tilespmem:v48+s2+$0x0], $0xffff  }
0x95: {  	v2 =	vld.idx.msk [tilespmem:v49+s2+$0x0], $0xffff;
	_ =	sdelay $0x3  }
0x96: {  	[tilespmem:$0x1180] =	vst v1  }
0x97: {  	[tilespmem:$0x1380] =	vst v2  }
0x98: {  	v1 =	vld.idx.msk [tilespmem:v50+s2+$0x0], $0xffff  }
0x99: {  	v2 =	vld.idx.msk [tilespmem:v51+s2+$0x0], $0xffff;
	_ =	sdelay $0x3  }
0x9a: {  	[tilespmem:$0x1190] =	vst v1  }
0x9b: {  	[tilespmem:$0x1390] =	vst v2  }
0x9c: {  	v1 =	vld.idx.msk [tilespmem:v52+s2+$0x0], $0xffff  }
0x9d: {  	v2 =	vld.idx.msk [tilespmem:v53+s2+$0x0], $0xffff;
	_ =	sdelay $0x3  }
0x9e: {  	[tilespmem:$0x11A0] =	vst v1  }
0x9f: {  	[tilespmem:$0x13A0] =	vst v2  }
0xa0: {  	v1 =	vld.idx.msk [tilespmem:v54+s2+$0x0], $0xffff  }
0xa1: {  	v2 =	vld.idx.msk [tilespmem:v55+s2+$0x0], $0xffff;
	_ =	sdelay $0x3  }
0xa2: {  	[tilespmem:$0x11B0] =	vst v1  }
0xa3: {  	[tilespmem:$0x13B0] =	vst v2  }
0xa4: {  	v1 =	vld.idx.msk [tilespmem:v56+s2+$0x0], $0xffff  }
0xa5: {  	v2 =	vld.idx.msk [tilespmem:v57+s2+$0x0], $0xffff;
	_ =	sdelay $0x3  }
0xa6: {  	[tilespmem:$0x11C0] =	vst v1  }
0xa7: {  	[tilespmem:$0x13C0] =	vst v2  }
0xa8: {  	v1 =	vld.idx.msk [tilespmem:v58+s2+$0x0], $0xffff  }
0xa9: {  	v2 =	vld.idx.msk [tilespmem:v59+s2+$0x0], $0xffff;
	_ =	sdelay $0x3  }
0xaa: {  	[tilespmem:$0x11D0] =	vst v1  }
0xab: {  	[tilespmem:$0x13D0] =	vst v2  }
0xac: {  	v1 =	vld.idx.msk [tilespmem:v60+s2+$0x0], $0xffff  }
0xad: {  	v2 =	vld.idx.msk [tilespmem:v61+s2+$0x0], $0xffff;
	_ =	sdelay $0x3  }
0xae: {  	[tilespmem:$0x11E0] =	vst v1  }
0xaf: {  	[tilespmem:$0x13E0] =	vst v2  }
0xb0: {  	v1 =	vld.idx.msk [tilespmem:v62+s2+$0x0], $0xffff  }
0xb1: {  	v2 =	vld.idx.msk [tilespmem:v63+s2+$0x0], $0xffff;
	_ =	sdelay $0x3  }
0xb2: {  	[tilespmem:$0x11F0] =	vst v1  }
0xb3: {  	[tilespmem:$0x13F0] =	vst v2  }
0xb4: {  	[tilespmem:s11], [sflag:$0x1] =	stream.indirect.gather [hbm4b:s3+s9], $0x20, s10, s9, $0xb8;
	[tilespmem:$0x9600] =	vst v63  }
0xb5: {  	_ = 	snop  }
0xb6: {  	[tilespmem:s13], [sflag:$0x1] =	stream.indirect.gather [hbm4b:s4+s9], $0x20, s12, s9, $0xb8;
	[tilespmem:$0x9600] =	vst v63  }
0xb7: {  	_ = 	snop  }
0xb8: {  	[tilespmem:s15], [sflag:$0x1] =	stream.indirect.gather [hbm4b:s3+s9], $0x20, s14, s9, $0xb8;
	[tilespmem:$0x9600] =	vst v63  }
0xb9: {  	_ = 	snop  }
0xba: {  	[tilespmem:s17], [sflag:$0x1] =	stream.indirect.gather [hbm4b:s4+s9], $0x20, s16, s9, $0xb8;
	[tilespmem:$0x9600] =	vst v63  }
0xbb: {  	_ = 	snop  }
0xbc: {  	[tilespmem:s19], [sflag:$0x1] =	stream.indirect.gather [hbm4b:s3+s9], $0x20, s18, s9, $0xb8;
	[tilespmem:$0x9600] =	vst v63  }
0xbd: {  	_ = 	snop  }
0xbe: {  	[tilespmem:s21], [sflag:$0x1] =	stream.indirect.gather [hbm4b:s4+s9], $0x20, s20, s9, $0xb8;
	[tilespmem:$0x9600] =	vst v63  }
0xbf: {  	_ = 	snop  }
0xc0: {  	[tilespmem:s23], [sflag:$0x1] =	stream.indirect.gather [hbm4b:s3+s9], $0x20, s22, s9, $0xb8;
	[tilespmem:$0x9600] =	vst v63  }
0xc1: {  	_ = 	snop  }
0xc2: {  	[tilespmem:s25], [sflag:$0x1] =	stream.indirect.gather [hbm4b:s4+s9], $0x20, s24, s9, $0xb8;
	[tilespmem:$0x9600] =	vst v63  }
0xc3: {  	_ =	swait.ge [sflag:s26], $0x1000  }
0xc4: {  	[sflag:s26] =	ssyncset.done $0x0  }
0xc5: {  	[sflag:s26] =	ssyncadd.s32 $0xFFFFF000  }
0xc6: {  	_ =	swait.ge [sflag:s26], $0x1000  }
0xc7: {  	[sflag:s26] =	ssyncset.done $0x0  }
0xc8: {  	[sflag:s26] =	ssyncadd.s32 $0xFFFFF000  }
0xc9: {  	_ =	swait.ge [sflag:s26], $0x1000  }
0xca: {  	[sflag:s26] =	ssyncset.done $0x0  }
0xcb: {  	[sflag:s26] =	ssyncadd.s32 $0xFFFFF000  }
0xcc: {  	_ =	swait.ge [sflag:s26], $0x1000  }
0xcd: {  	[sflag:s26] =	ssyncset.done $0x0  }
0xce: {  	[sflag:s26] =	ssyncadd.s32 $0xFFFFF000  }
0xcf: {  	_ =	swait.ge [sflag:s26], $0x1000  }
0xd0: {  	[sflag:s26] =	ssyncset.done $0x0  }
0xd1: {  	[sflag:s26] =	ssyncadd.s32 $0xFFFFF000  }
0xd2: {  	_ =	swait.ge [sflag:s26], $0x1000  }
0xd3: {  	[sflag:s26] =	ssyncset.done $0x0  }
0xd4: {  	[sflag:s26] =	ssyncadd.s32 $0xFFFFF000  }
0xd5: {  	_ =	swait.ge [sflag:s26], $0x1000  }
0xd6: {  	[sflag:s26] =	ssyncset.done $0x0  }
0xd7: {  	[sflag:s26] =	ssyncadd.s32 $0xFFFFF000  }
0xd8: {  	_ =	swait.ge [sflag:s26], $0x1000  }
0xd9: {  	[sflag:s26] =	ssyncset.done $0x0  }
0xda: {  	s0 =	simm.s32 $0x0;
	[sflag:s26] =	ssyncadd.s32 $0xFFFFF000  }
0xdb: {  	v1 =	vld [tilespmem:s0+$0x15C0]  }
0xdc: {  	v2 =	vld [tilespmem:s0+$0x55C0]  }
0xdd: {  	v3 =	vld [tilespmem:s0+$0x15D0]  }
0xde: {  	v4 =	vld [tilespmem:s0+$0x55D0]  }
0xdf: {  	v5 =	vld [tilespmem:s0+$0x15A0]  }
0xe0: {  	v6 =	vld [tilespmem:s0+$0x1580]  }
0xe1: {  	v7 =	vld [tilespmem:s0+$0x5580]  }
0xe2: {  	v8 =	vld [tilespmem:s0+$0x1590]  }
0xe3: {  	v9 =	vld [tilespmem:s0+$0x5590]  }
0xe4: {  	v10 =	vld [tilespmem:s0+$0x1560]  }
0xe5: {  	v11 =	vld [tilespmem:s0+$0x5560]  }
0xe6: {  	v12 =	vld [tilespmem:s0+$0x1570]  }
0xe7: {  	v13 =	vld [tilespmem:s0+$0x5570]  }
0xe8: {  	v14 =	vld [tilespmem:s0+$0x1540]  }
0xe9: {  	v15 =	vld [tilespmem:s0+$0x1520]  }
0xea: {  	v16 =	vld [tilespmem:s0+$0x5520]  }
0xeb: {  	v17 =	vld [tilespmem:s0+$0x1530]  }
0xec: {  	v18 =	vld [tilespmem:s0+$0x5530]  }
0xed: {  	v19 =	vld [tilespmem:s0+$0x1500]  }
0xee: {  	v20 =	vld [tilespmem:s0+$0x5500]  }
0xef: {  	v21 =	vld [tilespmem:s0+$0x1510]  }
0xf0: {  	v22 =	vld [tilespmem:s0+$0x5510]  }
0xf1: {  	v23 =	vld [tilespmem:s0+$0x14E0]  }
0xf2: {  	v24 =	vld [tilespmem:s0+$0x14C0]  }
0xf3: {  	v25 =	vld [tilespmem:s0+$0x54C0]  }
0xf4: {  	v26 =	vld [tilespmem:s0+$0x14D0]  }
0xf5: {  	v27 =	vld [tilespmem:s0+$0x54D0]  }
0xf6: {  	v28 =	vld [tilespmem:s0+$0x14A0]  }
0xf7: {  	v29 =	vld [tilespmem:s0+$0x54A0]  }
0xf8: {  	v30 =	vld [tilespmem:s0+$0x14B0]  }
0xf9: {  	v31 =	vld [tilespmem:s0+$0x54B0]  }
0xfa: {  	v32 =	vld [tilespmem:s0+$0x1480]  }
0xfb: {  	v33 =	vld [tilespmem:s0+$0x1460]  }
0xfc: {  	v34 =	vld [tilespmem:s0+$0x5460]  }
0xfd: {  	v35 =	vld [tilespmem:s0+$0x1470]  }
0xfe: {  	v36 =	vld [tilespmem:s0+$0x5470]  }
0xff: {  	v37 =	vld [tilespmem:s0+$0x1440]  }
0x100: {  	v38 =	vld [tilespmem:s0+$0x5440]  }
0x101: {  	v39 =	vld [tilespmem:s0+$0x1450]  }
0x102: {  	v40 =	vld [tilespmem:s0+$0x5450]  }
0x103: {  	v41 =	vld [tilespmem:s0+$0x5400]  }
0x104: {  	v42 =	vld [tilespmem:s0+$0x1400]  }
0x105: {  	v1 =	vmul.f32 v2, v1;
	v2 =	vmul.f32 v4, v3;
	v3 =	vld [tilespmem:s0+$0x1410]  }
0x106: {  	v4 =	vmul.f32 v7, v6;
	v6 =	vmul.f32 v9, v8;
	v7 =	vld [tilespmem:s0+$0x5410]  }
0x107: {  	v8 =	vmul.f32 v13, v12;
	v9 =	vld [tilespmem:s0+$0x1420];
	v1 =	vadd.f32 v2, v1;
	v2 =	vmul.f32 v11, v10  }
0x108: {  	v12 =	vld [tilespmem:s0+$0x1430];
	v4 =	vadd.f32 v6, v4;
	v6 =	vmul.f32 v16, v15;
	v10 =	vmul.f32 v18, v17  }
0x109: {  	v13 =	vld [tilespmem:s0+$0x5430];
	(xrf2) =	vadd.scan.msk.f32 $0xffff, v1;
	v1 =	vadd.f32 v8, v2;
	v2 =	vmul.f32 v20, v19;
	v8 =	vmul.f32 v22, v21  }
0x10a: {  	v11 =	vld [tilespmem:s0+$0x5420];
	(xrf2) =	vadd.scan.msk.f32 $0xffff, v4;
	v4 =	vadd.f32 v10, v6;
	v6 =	vmul.f32 v25, v24;
	v10 =	vmul.f32 v27, v26  }
0x10b: {  	v15 =	vld [tilespmem:s0+$0x5480];
	(xrf2) =	vadd.scan.msk.f32 $0xffff, v1;
	v1 =	vadd.f32 v8, v2;
	v2 =	vmul.f32 v29, v28;
	v8 =	vmul.f32 v31, v30  }
0x10c: {  	v16 =	vld [tilespmem:s0+$0x1490];
	(xrf2) =	vadd.scan.msk.f32 $0xffff, v4;
	v4 =	vadd.f32 v10, v6;
	v6 =	vmul.f32 v34, v33;
	v10 =	vmul.f32 v36, v35  }
0x10d: {  	v17 =	vld [tilespmem:s0+$0x5490];
	(xrf2) =	vadd.scan.msk.f32 $0xffff, v1;
	v1 =	vadd.f32 v8, v2;
	v2 =	vmul.f32 v38, v37;
	v8 =	vmul.f32 v40, v39  }
0x10e: {  	v3 =	vmul.f32 v7, v3;
	v7 =	vld [tilespmem:s0+$0x54E0];
	(xrf2) =	vadd.scan.msk.f32 $0xffff, v4;
	v4 =	vadd.f32 v10, v6  }
0x10f: {  	v6 =	vmul.f32 v41, v42;
	(xrf2) =	vadd.scan.msk.f32 $0xffff, v1;
	v1 =	vadd.f32 v8, v2;
	v2 =	vmul.f32 v11, v9;
	v9 =	vld [tilespmem:s0+$0x14F0]  }
0x110: {  	v8 =	vmul.f32 v13, v12;
	v11 =	vld [tilespmem:s0+$0x5550]  }
0x111: {  	(xrf2) =	vadd.scan.msk.f32 $0xffff, v4;
	v3 =	vadd.f32 v3, v6;
	v4 =	vld [tilespmem:s0+$0x54F0]  }
0x112: {  	(xrf2) =	vadd.scan.msk.f32 $0xffff, v1;
	v1 =	vadd.f32 v8, v2;
	v2 =	vld [tilespmem:s0+$0x5540]  }
0x113: {  	v6 =	vmul.f32 v17, v16;
	v8 =	vld [tilespmem:s0+$0x1550];
	(xrf2) =	vadd.scan.msk.f32 $0xffff, v3;
	v3 =	vmul.f32 v15, v32  }
0x114: {  	v15 =	vld [tilespmem:s0+$0x55B0]  }
0x115: {  	v10, _, _ =	vpop (xrf2);
	(xrf2) =	vadd.scan.msk.f32 $0xffff, v1;
	v3 =	vadd.f32 v6, v3;
	v6 =	vld [tilespmem:s0+$0x55A0]  }
0x116: {  	v7 =	vmul.f32 v7, v23;
	v1, _, _ =	vpop (xrf2);
	v4 =	vmul.f32 v4, v9;
	v9 =	vld [tilespmem:s0+$0x15B0]  }
0x117: {  	v12, _, _ =	vpop (xrf2)  }
0x118: {  	v13, _, _ =	vpop (xrf2);
	v4 =	vadd.f32 v4, v7  }
0x119: {  	(xrf2) =	vadd.scan.msk.f32 $0xffff, v3;
	v3, _, _ =	vpop (xrf2)  }
0x11a: {  	v2 =	vmul.f32 v2, v14;
	v8 =	vmul.f32 v11, v8;
	v16, _, _ =	vpop (xrf2)  }
0x11b: {  	v5 =	vmul.f32 v6, v5;
	v14, _, _ =	vpop (xrf2);
	v6 =	vmul.f32 v15, v9  }
0x11c: {  	v11 =	vld [tilespmem:s0+$0x55E0];
	(xrf2) =	vadd.scan.msk.f32 $0xffff, v4;
	v4, _, _ =	vpop (xrf2)  }
0x11d: {  	v7 =	vld [tilespmem:s0+$0x15E0];
	v2 =	vadd.f32 v8, v2;
	v18, _, _ =	vpop (xrf2)  }
0x11e: {  	v17 =	vld [tilespmem:s0+$0x15F0];
	v9, _, _ =	vpop (xrf2)  }
0x11f: {  	v8 =	vld [tilespmem:s0+$0x55F0];
	(xrf2) =	vadd.scan.msk.f32 $0xffff, v2;
	v2 =	vadd.f32 v6, v5;
	v6, _, _ =	vpop (xrf2)  }
0x120: {  	v6 =	vbroadcast v6, $0xF;
	_ =	sdelay $0x1  }
0x121: {  	v5 =	vmul.f32 v11, v7;
	v7 =	vbroadcast v9, $0xF  }
0x122: {  	v9 =	vbroadcast v18, $0xF  }
0x123: {  	v4 =	vbroadcast v4, $0xF;
	v8 =	vmul.f32 v8, v17;
	(xrf2) =	vadd.scan.msk.f32 $0xffff, v2;
	v2 =	vsel vm0, v7, v6;
	v6, _, _ =	vpop (xrf2)  }
0x124: {  	v2 =	vsel vm1, v2, v9;
	v6 =	vbroadcast v6, $0xF  }
0x125: {  	v5 =	vadd.f32 v8, v5;
	v2 =	vsel vm2, v2, v4;
	v4 =	vbroadcast v14, $0xF  }
0x126: {  	v7, _, _ =	vpop (xrf2);
	v2 =	vsel vm3, v2, v6;
	v6 =	vbroadcast v16, $0xF  }
0x127: {  	v2 =	vsel vm4, v2, v4;
	v4 =	vbroadcast v7, $0xF  }
0x128: {  	v3 =	vbroadcast v3, $0xF;
	(xrf2) =	vadd.scan.msk.f32 $0xffff, v5;
	v2 =	vsel vm5, v2, v6  }
0x129: {  	v5, _, _ =	vpop (xrf2);
	v2 =	vsel vm6, v2, v4;
	v4 =	vbroadcast v13, $0xF  }
0x12a: {  	v2 =	vsel vm7, v2, v3;
	v3 =	vbroadcast v5, $0xF  }
0x12b: {  	v2 =	vsel vm8, v2, v4;
	v4 =	vbroadcast v12, $0xF  }
0x12c: {  	v1 =	vbroadcast v1, $0xF;
	v2 =	vsel vm9, v2, v3  }
0x12d: {  	v2 =	vsel vm10, v2, v4  }
0x12e: {  	v3, _, _ =	vpop (xrf2);
	v1 =	vsel vm11, v2, v1;
	v2 =	vbroadcast v10, $0xF  }
0x12f: {  	v3 =	vbroadcast v3, $0xF;
	_ =	sdelay $0x1  }
0x130: {  	v1 =	vsel vm12, v1, v3  }
0x131: {  	v1 =	vsel vm13, v1, v2;
	v2, _, _ =	vpop (xrf2)  }
0x132: {  	v1 =	vsel vm14, v1, v2  }
0x133: {  	s31 =	simm.s32 $0x200;
	[tilespmem:s28+$0x0] =	vst v1  }
0x134: {  	v3 =	vld [tilespmem:s31+$0x15C0]  }
0x135: {  	v4 =	vld [tilespmem:s31+$0x55C0]  }
0x136: {  	v6 =	vld [tilespmem:s31+$0x15D0]  }
0x137: {  	v7 =	vld [tilespmem:s31+$0x55D0]  }
0x138: {  	v1 =	vld [tilespmem:s31+$0x15A0]  }
0x139: {  	v8 =	vld [tilespmem:s31+$0x1580]  }
0x13a: {  	v9 =	vld [tilespmem:s31+$0x5580]  }
0x13b: {  	v10 =	vld [tilespmem:s31+$0x1590]  }
0x13c: {  	v11 =	vld [tilespmem:s31+$0x5590]  }
0x13d: {  	v12 =	vld [tilespmem:s31+$0x1560]  }
0x13e: {  	v13 =	vld [tilespmem:s31+$0x5560]  }
0x13f: {  	v14 =	vld [tilespmem:s31+$0x1570]  }
0x140: {  	v15 =	vld [tilespmem:s31+$0x5570]  }
0x141: {  	v2 =	vld [tilespmem:s31+$0x1540]  }
0x142: {  	v16 =	vld [tilespmem:s31+$0x1520]  }
0x143: {  	v17 =	vld [tilespmem:s31+$0x5520]  }
0x144: {  	v18 =	vld [tilespmem:s31+$0x1530]  }
0x145: {  	v19 =	vld [tilespmem:s31+$0x5530]  }
0x146: {  	v20 =	vld [tilespmem:s31+$0x1500]  }
0x147: {  	v33 =	vld [tilespmem:s31+$0x5500]  }
0x148: {  	v34 =	vld [tilespmem:s31+$0x1510]  }
0x149: {  	v35 =	vld [tilespmem:s31+$0x5510]  }
0x14a: {  	v5 =	vld [tilespmem:s31+$0x14E0]  }
0x14b: {  	v36 =	vld [tilespmem:s31+$0x14C0]  }
0x14c: {  	v37 =	vld [tilespmem:s31+$0x54C0]  }
0x14d: {  	v38 =	vld [tilespmem:s31+$0x14D0]  }
0x14e: {  	v39 =	vld [tilespmem:s31+$0x54D0];
	v3 =	vmul.f32 v4, v3;
	v4 =	vmul.f32 v7, v6  }
0x14f: {  	v40 =	vld [tilespmem:s31+$0x14A0];
	v7 =	vmul.f32 v9, v8;
	v9 =	vmul.f32 v11, v10  }
0x150: {  	v41 =	vld [tilespmem:s31+$0x54A0];
	v3 =	vadd.f32 v4, v3  }
0x151: {  	v42 =	vld [tilespmem:s31+$0x5450];
	v10 =	vmul.f32 v15, v14;
	v4 =	vmul.f32 v13, v12;
	v7 =	vadd.f32 v9, v7  }
0x152: {  	v6 =	vld [tilespmem:s31+$0x14B0];
	v9 =	vmul.f32 v17, v16;
	v12 =	vmul.f32 v19, v18;
	(xrf2) =	vadd.scan.msk.f32 $0xffff, v3  }
0x153: {  	v11 =	vld [tilespmem:s31+$0x54B0];
	v3 =	vadd.f32 v10, v4;
	(xrf2) =	vadd.scan.msk.f32 $0xffff, v7  }
0x154: {  	v8 =	vld [tilespmem:s31+$0x1480];
	v4 =	vadd.f32 v12, v9  }
0x155: {  	v14 =	vld [tilespmem:s31+$0x1460];
	(xrf2) =	vadd.scan.msk.f32 $0xffff, v3  }
0x156: {  	v15 =	vld [tilespmem:s31+$0x5460];
	v3 =	vmul.f32 v33, v20;
	(xrf2) =	vadd.scan.msk.f32 $0xffff, v4;
	v4 =	vmul.f32 v35, v34  }
0x157: {  	v17 =	vld [tilespmem:s31+$0x1440]  }
0x158: {  	v12 =	vld [tilespmem:s31+$0x5470];
	v4 =	vadd.f32 v4, v3  }
0x159: {  	v13 =	vmul.f32 v37, v36;
	v16 =	vmul.f32 v39, v38;
	v7 =	vld [tilespmem:s31+$0x1470]  }
0x15a: {  	v18 =	vld [tilespmem:s31+$0x5440];
	(xrf2) =	vadd.scan.msk.f32 $0xffff, v4  }
0x15b: {  	v19 =	vld [tilespmem:s31+$0x1450];
	v16 =	vadd.f32 v16, v13  }
0x15c: {  	v9 =	vld [tilespmem:s31+$0x5400];
	v6 =	vmul.f32 v11, v6;
	v20 =	vmul.f32 v41, v40;
	v3, _, _ =	vpop (xrf2)  }
0x15d: {  	v10 =	vld [tilespmem:s31+$0x1400];
	v4, _, _ =	vpop (xrf2);
	(xrf2) =	vadd.scan.msk.f32 $0xffff, v16  }
0x15e: {  	v13 =	vld [tilespmem:s31+$0x5410];
	v20 =	vadd.f32 v6, v20;
	v7 =	vmul.f32 v12, v7  }
0x15f: {  	v11 =	vld [tilespmem:s31+$0x1410];
	v15 =	vmul.f32 v15, v14  }
0x160: {  	v14 =	vld [tilespmem:s31+$0x5420];
	(xrf2) =	vadd.scan.msk.f32 $0xffff, v20  }
0x161: {  	v12 =	vld [tilespmem:s31+$0x1420];
	v16 =	vadd.f32 v7, v15;
	v6, _, _ =	vpop (xrf2)  }
0x162: {  	s30 =	simm.s32 $0x9400;
	s0 =	simm.s32 $0x1000;
	v17 =	vmul.f32 v18, v17;
	v18 =	vmul.f32 v42, v19;
	v15 =	vld [tilespmem:s31+$0x1430];
	v7, _, _ =	vpop (xrf2)  }
.LBB2_2:
0x163: {  	p0 =	sne.s32 s0, $0xF800;
	v19 =	vld [tilespmem:s31+$0x5430];
	(xrf2) =	vadd.scan.msk.f32 $0xffff, v16  }
0x164: {  	v20 =	vadd.f32 v18, v17;
	v17 =	vld [tilespmem:s31+$0x5480];
	v18, _, _ =	vpop (xrf2)  }
0x165: {  	v9 =	vmul.f32 v9, v10;
	v10 =	vmul.f32 v13, v11;
	v11 =	vld [tilespmem:s31+$0x1490]  }
0x166: {  	v13 =	vld [tilespmem:s31+$0x5490];
	(xrf2) =	vadd.scan.msk.f32 $0xffff, v20  }
0x167: {  	v9 =	vadd.f32 v10, v9;
	v10 =	vld [tilespmem:s31+$0x54E0];
	v16, _, _ =	vpop (xrf2)  }
0x168: {  	v12 =	vmul.f32 v14, v12;
	v20 =	vmul.f32 v19, v15;
	v15 =	vld [tilespmem:s31+$0x14F0]  }
0x169: {  	v19 =	vld [tilespmem:s31+$0x54F0];
	(xrf2) =	vadd.scan.msk.f32 $0xffff, v9  }
0x16a: {  	v9 =	vadd.f32 v20, v12;
	v12 =	vld [tilespmem:s31+$0x5540];
	v14, _, _ =	vpop (xrf2)  }
0x16b: {  	v8 =	vmul.f32 v17, v8;
	v20 =	vmul.f32 v13, v11;
	v13 =	vld [tilespmem:s31+$0x1550]  }
0x16c: {  	v17 =	vld [tilespmem:s31+$0x5550];
	(xrf2) =	vadd.scan.msk.f32 $0xffff, v9  }
0x16d: {  	v8 =	vadd.f32 v20, v8;
	v9 =	vld [tilespmem:s31+$0x55A0];
	v11, _, _ =	vpop (xrf2)  }
0x16e: {  	v5 =	vmul.f32 v10, v5;
	v20 =	vmul.f32 v19, v15;
	v15 =	vld [tilespmem:s31+$0x15B0]  }
0x16f: {  	v19 =	vld [tilespmem:s31+$0x55B0];
	(xrf2) =	vadd.scan.msk.f32 $0xffff, v8  }
0x170: {  	v5 =	vadd.f32 v20, v5;
	v8 =	vld [tilespmem:s31+$0x15E0];
	v10, _, _ =	vpop (xrf2)  }
0x171: {  	v2 =	vmul.f32 v12, v2;
	v20 =	vmul.f32 v17, v13;
	v13 =	vld [tilespmem:s31+$0x55E0]  }
0x172: {  	v17 =	vld [tilespmem:s31+$0x15F0];
	(xrf2) =	vadd.scan.msk.f32 $0xffff, v5  }
0x173: {  	v2 =	vadd.f32 v20, v2;
	v5 =	vld [tilespmem:s31+$0x55F0];
	v12, _, _ =	vpop (xrf2)  }
0x174: {  	v1 =	vmul.f32 v9, v1;
	v9 =	vmul.f32 v19, v15  }
0x175: {  	(xrf2) =	vadd.scan.msk.f32 $0xffff, v2  }
0x176: {  	v1 =	vadd.f32 v9, v1;
	v2 =	vmul.f32 v13, v8;
	v8, _, _ =	vpop (xrf2)  }
0x177: {  	v12 =	vbroadcast v12, $0xF;
	v8 =	vbroadcast v8, $0xF  }
0x178: {  	v10 =	vbroadcast v10, $0xF;
	v5 =	vmul.f32 v5, v17;
	(xrf2) =	vadd.scan.msk.f32 $0xffff, v1  }
0x179: {  	v1 =	vsel vm0, v12, v8;
	v8 =	vbroadcast v11, $0xF;
	v9, _, _ =	vpop (xrf2)  }
0x17a: {  	v1 =	vsel vm1, v1, v10;
	v10 =	vbroadcast v9, $0xF;
	v2 =	vadd.f32 v5, v2  }
0x17b: {  	v5 =	vbroadcast v14, $0xF;
	v1 =	vsel vm2, v1, v8  }
0x17c: {  	v8 =	vbroadcast v16, $0xF;
	v1 =	vsel vm3, v1, v10;
	v9, _, _ =	vpop (xrf2);
	(xrf2) =	vadd.scan.msk.f32 $0xffff, v2  }
0x17d: {  	v1 =	vsel vm4, v1, v5;
	v2 =	vbroadcast v9, $0xF  }
0x17e: {  	v5 =	vbroadcast v18, $0xF;
	v1 =	vsel vm5, v1, v8  }
0x17f: {  	v1 =	vsel vm6, v1, v2;
	v2 =	vbroadcast v7, $0xF;
	v7, _, _ =	vpop (xrf2)  }
0x180: {  	v1 =	vsel vm7, v1, v5;
	v7 =	vbroadcast v7, $0xF  }
0x181: {  	v1 =	vsel vm8, v1, v2;
	v2 =	vbroadcast v6, $0xF  }
0x182: {  	v4 =	vbroadcast v4, $0xF;
	v1 =	vsel vm9, v1, v7;
	v5, _, _ =	vpop (xrf2)  }
0x183: {  	v1 =	vsel vm10, v1, v2;
	v5 =	vbroadcast v5, $0xF  }
0x184: {  	v3 =	vbroadcast v3, $0xF;
	v1 =	vsel vm11, v1, v4  }
0x185: {  	v1 =	vsel vm12, v1, v5  }
0x186: {  	v1 =	vsel vm13, v1, v3;
	v2, _, _ =	vpop (xrf2)  }
0x187: {  	s30 =	sadd.s32 $0x10, s30;
	v1 =	vsel vm14, v1, v2  }
0x188: {  	s31 =	sshra.s32 s0, $0x2;
	[tilespmem:s30+$0x0] =	vst v1  }
0x189: {  	v3 =	vld [tilespmem:s31+$0x15C0]  }
0x18a: {  	v4 =	vld [tilespmem:s31+$0x55C0]  }
0x18b: {  	v6 =	vld [tilespmem:s31+$0x15D0]  }
0x18c: {  	v7 =	vld [tilespmem:s31+$0x55D0]  }
0x18d: {  	v1 =	vld [tilespmem:s31+$0x15A0]  }
0x18e: {  	v8 =	vld [tilespmem:s31+$0x1580]  }
0x18f: {  	v9 =	vld [tilespmem:s31+$0x5580]  }
0x190: {  	v10 =	vld [tilespmem:s31+$0x1590]  }
0x191: {  	v11 =	vld [tilespmem:s31+$0x5590]  }
0x192: {  	v12 =	vld [tilespmem:s31+$0x1560]  }
0x193: {  	v13 =	vld [tilespmem:s31+$0x5560]  }
0x194: {  	v14 =	vld [tilespmem:s31+$0x1570]  }
0x195: {  	v15 =	vld [tilespmem:s31+$0x5570]  }
0x196: {  	v2 =	vld [tilespmem:s31+$0x1540]  }
0x197: {  	v16 =	vld [tilespmem:s31+$0x1520]  }
0x198: {  	v17 =	vld [tilespmem:s31+$0x5520]  }
0x199: {  	v18 =	vld [tilespmem:s31+$0x1530]  }
0x19a: {  	v19 =	vld [tilespmem:s31+$0x5530]  }
0x19b: {  	v20 =	vld [tilespmem:s31+$0x1500]  }
0x19c: {  	v21 =	vld [tilespmem:s31+$0x5500]  }
0x19d: {  	v22 =	vld [tilespmem:s31+$0x1510]  }
0x19e: {  	v23 =	vld [tilespmem:s31+$0x5510]  }
0x19f: {  	v3 =	vmul.f32 v4, v3;
	v4 =	vmul.f32 v7, v6;
	v5 =	vld [tilespmem:s31+$0x14E0]  }
0x1a0: {  	v6 =	vld [tilespmem:s31+$0x14C0]  }
0x1a1: {  	v3 =	vadd.f32 v4, v3;
	v7 =	vld [tilespmem:s31+$0x54C0]  }
0x1a2: {  	v8 =	vmul.f32 v9, v8;
	v9 =	vmul.f32 v11, v10;
	v4 =	vld [tilespmem:s31+$0x14D0]  }
0x1a3: {  	v10 =	vld [tilespmem:s31+$0x54D0];
	(xrf2) =	vadd.scan.msk.f32 $0xffff, v3  }
0x1a4: {  	v3 =	vadd.f32 v9, v8;
	v11 =	vld [tilespmem:s31+$0x14A0]  }
0x1a5: {  	v8 =	vmul.f32 v13, v12;
	v9 =	vmul.f32 v15, v14;
	v24 =	vld [tilespmem:s31+$0x54A0]  }
0x1a6: {  	v12 =	vld [tilespmem:s31+$0x14B0];
	(xrf2) =	vadd.scan.msk.f32 $0xffff, v3  }
0x1a7: {  	v3 =	vadd.f32 v9, v8;
	v13 =	vld [tilespmem:s31+$0x54B0]  }
0x1a8: {  	v14 =	vmul.f32 v19, v18;
	v9 =	vmul.f32 v17, v16;
	v8 =	vld [tilespmem:s31+$0x1480]  }
0x1a9: {  	v15 =	vld [tilespmem:s31+$0x1460];
	(xrf2) =	vadd.scan.msk.f32 $0xffff, v3  }
0x1aa: {  	v25 =	vadd.f32 v14, v9;
	v16 =	vld [tilespmem:s31+$0x5460]  }
0x1ab: {  	v17 =	vmul.f32 v23, v22;
	v9 =	vmul.f32 v21, v20;
	v14 =	vld [tilespmem:s31+$0x1470]  }
0x1ac: {  	v18 =	vld [tilespmem:s31+$0x5470];
	(xrf2) =	vadd.scan.msk.f32 $0xffff, v25  }
0x1ad: {  	v9 =	vadd.f32 v17, v9;
	v19 =	vld [tilespmem:s31+$0x1440];
	v3, _, _ =	vpop (xrf2)  }
0x1ae: {  	v6 =	vmul.f32 v7, v6;
	v7 =	vmul.f32 v10, v4;
	v17 =	vld [tilespmem:s31+$0x5440]  }
0x1af: {  	v20 =	vld [tilespmem:s31+$0x1450];
	(xrf2) =	vadd.scan.msk.f32 $0xffff, v9  }
0x1b0: {  	v22 =	vadd.f32 v7, v6;
	v21 =	vld [tilespmem:s31+$0x5450];
	v4, _, _ =	vpop (xrf2)  }
0x1b1: {  	v7 =	vmul.f32 v24, v11;
	v12 =	vmul.f32 v13, v12;
	v9 =	vld [tilespmem:s31+$0x5400]  }
0x1b2: {  	v10 =	vld [tilespmem:s31+$0x1400];
	(xrf2) =	vadd.scan.msk.f32 $0xffff, v22  }
.Ltmp0:
0x1b3: {  	v22 =	vadd.f32 v12, v7;
	v11 =	vld [tilespmem:s31+$0x1410];
	v6, _, _ =	vpop (xrf2);
	(pc) =	sbr.rel @p0 .LBB2_2-.Ltmp0, $4  }
0x1b4: {  	v15 =	vmul.f32 v16, v15;
	v16 =	vmul.f32 v18, v14;
	v13 =	vld [tilespmem:s31+$0x5410]  }
0x1b5: {  	v12 =	vld [tilespmem:s31+$0x1420];
	(xrf2) =	vadd.scan.msk.f32 $0xffff, v22  }
0x1b6: {  	v16 =	vadd.f32 v16, v15;
	v14 =	vld [tilespmem:s31+$0x5420];
	v7, _, _ =	vpop (xrf2)  }
0x1b7: {  	s0 =	sadd.s32 $0x800, s0;
	v17 =	vmul.f32 v17, v19;
	v18 =	vmul.f32 v21, v20;
	v15 =	vld [tilespmem:s31+$0x1430]  }
0x1b8: {  	v19 =	vld [tilespmem:s31+$0x5430]  }
0x1b9: {  	v20 =	vld [tilespmem:s31+$0x5480]  }
0x1ba: {  	v21 =	vld [tilespmem:s31+$0x1490]  }
0x1bb: {  	v22 =	vld [tilespmem:s31+$0x5490]  }
0x1bc: {  	v9 =	vmul.f32 v9, v10;
	v29 =	vld [tilespmem:s31+$0x54E0];
	v28 =	vmul.f32 v13, v11  }
0x1bd: {  	v32 =	vld [tilespmem:s31+$0x14F0];
	v30 =	vadd.f32 v18, v17;
	v12 =	vmul.f32 v14, v12;
	v31 =	vmul.f32 v19, v15  }
0x1be: {  	(xrf2) =	vadd.scan.msk.f32 $0xffff, v16;
	v33 =	vld [tilespmem:s31+$0x54F0];
	v9 =	vadd.f32 v28, v9  }
0x1bf: {  	v34 =	vld [tilespmem:s31+$0x5540];
	(xrf2) =	vadd.scan.msk.f32 $0xffff, v30;
	v12 =	vadd.f32 v31, v12  }
0x1c0: {  	v36 =	vld [tilespmem:s31+$0x1550];
	(xrf2) =	vadd.scan.msk.f32 $0xffff, v9;
	v8 =	vmul.f32 v20, v8;
	v35 =	vmul.f32 v22, v21  }
0x1c1: {  	v37 =	vld [tilespmem:s31+$0x5550];
	(xrf2) =	vadd.scan.msk.f32 $0xffff, v12  }
0x1c2: {  	v38 =	vld [tilespmem:s31+$0x55A0];
	v8 =	vadd.f32 v35, v8  }
0x1c3: {  	v39 =	vld [tilespmem:s31+$0x15B0];
	v5 =	vmul.f32 v29, v5;
	v10 =	vmul.f32 v33, v32  }
0x1c4: {  	v40 =	vld [tilespmem:s31+$0x55B0];
	(xrf2) =	vadd.scan.msk.f32 $0xffff, v8  }
0x1c5: {  	v41, _, _ =	vpop (xrf2);
	v5 =	vadd.f32 v10, v5  }
0x1c6: {  	v42 =	vld [tilespmem:s31+$0x15E0];
	v21, _, _ =	vpop (xrf2);
	v2 =	vmul.f32 v34, v2;
	v22 =	vmul.f32 v37, v36  }
0x1c7: {  	v25 =	vld [tilespmem:s31+$0x15F0];
	v24, _, _ =	vpop (xrf2);
	(xrf2) =	vadd.scan.msk.f32 $0xffff, v5  }
0x1c8: {  	v27 =	vld [tilespmem:s31+$0x55F0];
	v2 =	vadd.f32 v22, v2;
	v26, _, _ =	vpop (xrf2)  }
0x1c9: {  	v23 =	vld [tilespmem:s31+$0x55E0];
	v1 =	vmul.f32 v38, v1;
	v29 =	vmul.f32 v40, v39;
	v28, _, _ =	vpop (xrf2)  }
0x1ca: {  	(xrf2) =	vadd.scan.msk.f32 $0xffff, v2;
	v30, _, _ =	vpop (xrf2)  }
0x1cb: {  	v1 =	vadd.f32 v29, v1;
	v31, _, _ =	vpop (xrf2)  }
0x1cc: {  	v32 =	vbroadcast v30, $0xF;
	v9 =	vbroadcast v31, $0xF  }
0x1cd: {  	v34 =	vmul.f32 v27, v25;
	(xrf2) =	vadd.scan.msk.f32 $0xffff, v1;
	v33 =	vbroadcast v28, $0xF  }
0x1ce: {  	v5 =	vbroadcast v26, $0xF;
	v2 =	vmul.f32 v23, v42;
	v35, _, _ =	vpop (xrf2);
	v1 =	vsel vm0, v32, v9  }
0x1cf: {  	v9 =	vbroadcast v35, $0xF;
	v1 =	vsel vm1, v1, v33  }
0x1d0: {  	v36 =	vbroadcast v24, $0xF;
	v2 =	vadd.f32 v34, v2;
	v1 =	vsel vm2, v1, v5  }
0x1d1: {  	v37 =	vbroadcast v21, $0xF;
	v38, _, _ =	vpop (xrf2);
	v1 =	vsel vm3, v1, v9  }
0x1d2: {  	(xrf2) =	vadd.scan.msk.f32 $0xffff, v2;
	v2 =	vbroadcast v38, $0xF;
	v1 =	vsel vm4, v1, v36  }
0x1d3: {  	v39 =	vbroadcast v41, $0xF;
	v1 =	vsel vm5, v1, v37  }
0x1d4: {  	v40, _, _ =	vpop (xrf2);
	v1 =	vsel vm6, v1, v2;
	v2 =	vbroadcast v7, $0xF  }
0x1d5: {  	v41 =	vbroadcast v40, $0xF;
	v1 =	vsel vm7, v1, v39  }
0x1d6: {  	v1 =	vsel vm8, v1, v2;
	v2 =	vbroadcast v6, $0xF  }
0x1d7: {  	v42, _, _ =	vpop (xrf2);
	v1 =	vsel vm9, v1, v41  }
0x1d8: {  	v4 =	vbroadcast v4, $0xF;
	v1 =	vsel vm10, v1, v2;
	v2 =	vbroadcast v42, $0xF;
	_ =	sdelay $0x1  }
0x1d9: {  	v3 =	vbroadcast v3, $0xF;
	v1 =	vsel vm11, v1, v4  }
0x1da: {  	v1 =	vsel vm12, v1, v2  }
0x1db: {  	s29 =	sadd.s32 $0x1, s29;
	v1 =	vsel vm13, v1, v3;
	v2, _, _ =	vpop (xrf2)  }
0x1dc: {  	s0 =	sadd.s32 $0x10, s30;
	p0 =	sne.s32 s29, s7;
	v1 =	vsel vm14, v1, v2  }
.Ltmp1:
0x1dd: {  	[tilespmem:s0+$0x0] =	vst v1;
	(pc) =	sbr.rel @p0 .LBB2_1-.Ltmp1, $4  }
0x1de: {  	[hbm4b:s6+s2] =	stream.linear.scatter [tilespmem:s28], [sflag:$0x2], $0x200, $0x38;
	[tilespmem:$0x9600] =	vst v63  }
0x1df: {  	_ =	swait.ge [sflag:s8], $0x200  }
0x1e0: {  	[sflag:s8] =	ssyncset.done $0x0  }
0x1e1: {  	[sflag:s8] =	ssyncadd.s32 $0xFFFFFE00  }
0x1e2: {  	_ =	sfence.sel $0x180000  }
0x1e3: {  	[bflag:$0x0] =	sbarrier.arrive $0xFFFF  }
0x1e4: {  	_ =	strace $0x90000047  }
0x1e5: {  	[bflag:$0x2] =	sbarrier.arrive $0xFFFF  }
0x1e6: {  	p0 =	sne.s32 s1, $0x0;
	s0 =	rddreg [dreg:$0x2]  }
0x1e7: {  	s0 =	sadd.s32 @!p0 $0x100000, s0  }
0x1e8: {  	[sflag:s0] =	ssyncadd.tile.s32 @!p0 $0x1;
	_ =	shalt  }
.Lfunc_end2:
_tile_overlayer_lowered:
.L_overlay_start_2:
0x1e9: {  	(tag) =	ssettag $0x2  }
0x1ea: {  	s0 =	rddreg [dreg:$0x0];
	s2 =	stileid.u32  }
0x1eb: {  	s1 =	rddreg [dreg:$0x1];
	p0 =	sne.s32 s2, $0x0  }
0x1ec: {  	s3 =	rddreg [dreg:$0x2];
	[bflag:$0x3] =	sbarrier.arrive $0xFFFF;
	s2 =	simm.s32 @!p0 $0x1C02  }
0x1ed: {  	[timem:s3], [sflag:s2] =	dma.local @!p0 [hbm:s0], s1  }
0x1ee: {  	s0 =	simm.s32 @!p0 $0x2  }
0x1ef: {  	_ =	swait.ge @!p0 [sflag:s0], s1  }
0x1f0: {  	s1 =	ssub.s32 @!p0 $0x0, s1;
	[sflag:s0] =	ssyncset.done @!p0 $0x0  }
0x1f1: {  	[sflag:s0] =	ssyncadd.s32 @!p0 s1  }
0x1f2: {  	[bflag:$0x3] =	sbarrier.arrive $0xFFFF  }
0x1f3: {  	_ =	shalt  }

</sc_bundles>
